<compile_context>
chip_gen: v7x
topology: tpu7x:2x2x1
jax: 0.10.2.dev20260603
libtpu: 0.0.44.dev20260713+nightly
codegen_flags: <defaults>
</compile_context>

<pallas_src>
import functools
import math

import jax
import jax.numpy as jnp
from jax import lax
from jax.experimental import pallas as pl
from jax.experimental.pallas import tpu as pltpu
from jax.experimental.pallas import tpu_sc as plsc

K = 16
M1 = 512
M3 = 128


def _gelu(v):
    return v * 0.5 * (1.0 + lax.erf(v * (1.0 / math.sqrt(2.0))))


def _ln(h, g, b, eps=1e-5):
    mu = jnp.mean(h, axis=-1, keepdims=True)
    var = jnp.mean((h - mu) ** 2, axis=-1, keepdims=True)
    return (h - mu) / jnp.sqrt(var + eps) * g + b


def _bf16_round(v):
    b = lax.bitcast_convert_type(v, jnp.uint32)
    r = (b + jnp.uint32(0x7FFF) + ((b >> 16) & jnp.uint32(1))) \
        & jnp.uint32(0xFFFF0000)
    return lax.bitcast_convert_type(r, jnp.float32)


def _topk_q_body(coord_ref, coordt_ref, x_ref, w1b_ref, gidx_ref, q_ref):
    b = pl.program_id(0)
    n = coordt_ref.shape[2]
    c = coord_ref[0]
    ct = coordt_ref[0]
    cb = _bf16_round(c)
    ctb = _bf16_round(ct)
    cxi, cyi, czi = c[:, 0:1], c[:, 1:2], c[:, 2:3]
    cxj, cyj, czj = ct[0:1, :], ct[1:2, :], ct[2:3, :]
    bxi, byi, bzi = cb[:, 0:1], cb[:, 1:2], cb[:, 2:3]
    bxj, byj, bzj = ctb[0:1, :], ctb[1:2, :], ctb[2:3, :]
    sqi = cxi * cxi + cyi * cyi + czi * czi
    sqj = cxj * cxj + cyj * cyj + czj * czj
    dot = bxi * bxj + byi * byj + bzi * bzj
    d2 = sqi + sqj - 2.0 * dot
    iota = lax.broadcasted_iota(jnp.int32, d2.shape, 1)
    cols = []
    for _ in range(K):
        j = jnp.argmin(d2, axis=1).astype(jnp.int32)[:, None]
        cols.append(j)
        d2 = jnp.where(iota == j, jnp.inf, d2)
    idx = jnp.concatenate(cols, axis=1)
    gidx_ref[0] = idx + b * n
    q_ref[0] = jnp.dot(x_ref[0], w1b_ref[...],
                       preferred_element_type=jnp.float32)


def _mlp_body(qg_ref, x_ref, w1d_ref, b1_ref, lnb_ref,
              g1_ref, be1_ref, w2_ref, b2_ref, g2_ref, be2_ref,
              w3_ref, b3_ref, g3_ref, be3_ref, out_ref):
    eps = 1e-5
    xb = x_ref[0]
    p = jnp.dot(xb, w1d_ref[...], preferred_element_type=jnp.float32)
    p = p + b1_ref[...]
    pd = jnp.concatenate([p, p], axis=1)
    qg = qg_ref[0]
    t = qg + jnp.broadcast_to(
        pd[:, None, :], (M3, K // 2, 2 * p.shape[1])
    ).reshape(qg.shape)

    def ln_gelu(h, g, be):
        mu = jnp.dot(h, lnb_ref[...], preferred_element_type=jnp.float32)
        m2 = jnp.dot(h * h, lnb_ref[...],
                     preferred_element_type=jnp.float32)
        rstd = lax.rsqrt(jnp.maximum(m2 - mu * mu, 0.0) + eps)
        return _gelu((h - mu) * rstd * g + be)

    h = ln_gelu(t, g1_ref[...], be1_ref[...])
    h = jnp.dot(h, w2_ref[...], preferred_element_type=jnp.float32)
    h = ln_gelu(h + b2_ref[...], g2_ref[...], be2_ref[...])
    h = jnp.dot(h, w3_ref[...], preferred_element_type=jnp.float32)
    h = ln_gelu(h + b3_ref[...], g3_ref[...], be3_ref[...])
    mm = jnp.max(h.reshape(M3, K // 2, h.shape[1]), axis=1)
    d = xb.shape[1]
    agg = jnp.maximum(mm[:, :d], mm[:, d:])
    out_ref[0] = _gelu(agg + xb)


def _sc_gather(table, gidx, n_rows, d, chunk=128):
    total = gidx.shape[0]
    info = plsc.get_sparse_core_info()
    nc, ns = info.num_cores, info.num_subcores
    nw = nc * ns
    per_w = total // nw
    n_chunks = per_w // chunk
    mesh = plsc.VectorSubcoreMesh(core_axis_name="c", subcore_axis_name="s")

    @functools.partial(
        pl.kernel, mesh=mesh,
        compiler_params=pltpu.CompilerParams(use_tc_tiling_on_sc=False),
        out_type=jax.ShapeDtypeStruct((total, d), jnp.float32),
        scratch_types=[
            pltpu.VMEM((chunk,), jnp.int32),
            pltpu.VMEM((chunk, d), jnp.float32),
            pltpu.SemaphoreType.DMA,
        ],
    )
    def gather_k(table_hbm, idx_hbm, out_hbm, idx_v, rows_v, sem):
        wid = lax.axis_index("s") * nc + lax.axis_index("c")
        w_base = wid * per_w

        def body(ci, _):
            base = w_base + ci * chunk
            pltpu.sync_copy(idx_hbm.at[pl.ds(base, chunk)], idx_v)
            pltpu.async_copy(table_hbm.at[idx_v], rows_v, sem).wait()
            pltpu.sync_copy(rows_v, out_hbm.at[pl.ds(base, chunk)])
            return 0

        lax.fori_loop(0, n_chunks, body, 0)

    return gather_k(table, gidx)


def kernel(x, coordinates, W1, b1, g1, be1, W2, b2, g2, be2, W3, b3, g3, be3):
    B, N, D = x.shape
    E = W1.shape[1]
    coordsT = jnp.transpose(coordinates, (0, 2, 1))
    W1a, W1b = W1[:D], W1[D:]
    W1d = W1a - W1b

    def blkdiag(w):
        z = jnp.zeros((2 * E, 2 * E), jnp.float32)
        return z.at[:E, :E].set(w).at[E:, E:].set(w)

    lnb = blkdiag(jnp.full((E, E), 1.0 / E, jnp.float32))
    vec2 = lambda v: jnp.concatenate([v, v]).reshape(1, 2 * E)
    full = lambda shape: pl.BlockSpec(shape, lambda b, i: (0, 0))
    w2p, w3p = blkdiag(W2), blkdiag(W3)
    consts = (W1d, b1.reshape(1, E), lnb,
              vec2(g1), vec2(be1),
              w2p, vec2(b2), vec2(g2), vec2(be2),
              w3p, vec2(b3), vec2(g3), vec2(be3))

    stage1 = []
    for b in range(B):
        gidx_b, q_b = pl.pallas_call(
            _topk_q_body,
            grid=(1, N // M1),
            in_specs=[
                pl.BlockSpec((1, M1, 3), lambda b_, i: (b_, i, 0)),
                pl.BlockSpec((1, 3, N), lambda b_, i: (b_, 0, 0)),
                pl.BlockSpec((1, M1, D), lambda b_, i: (b_, i, 0)),
                pl.BlockSpec((D, E), lambda b_, i: (0, 0)),
            ],
            out_specs=[
                pl.BlockSpec((1, M1, K), lambda b_, i: (b_, i, 0)),
                pl.BlockSpec((1, M1, E), lambda b_, i: (b_, i, 0)),
            ],
            out_shape=[
                jax.ShapeDtypeStruct((1, N, K), jnp.int32),
                jax.ShapeDtypeStruct((1, N, E), jnp.float32),
            ],
        )(coordinates[b:b + 1], coordsT[b:b + 1], x[b:b + 1], W1b)
        stage1.append((gidx_b, q_b))

    qgs = []
    for b in range(B):
        gidx_b, q_b = stage1[b]
        qg_b = _sc_gather(q_b.reshape(N, E), gidx_b.reshape(N * K), N, E)
        qgs.append(qg_b.reshape(1, N * K // 2, 2 * E))

    outs = []
    for b in range(B):
        out_b = pl.pallas_call(
            _mlp_body,
            grid=(1, N // M3),
            in_specs=[
                pl.BlockSpec((1, M3 * K // 2, 2 * E),
                             lambda b_, i: (b_, i, 0)),
                pl.BlockSpec((1, M3, D), lambda b_, i: (b_, i, 0)),
                full((D, E)), full((1, E)), full((2 * E, 2 * E)),
                full((1, 2 * E)), full((1, 2 * E)),
                full((2 * E, 2 * E)), full((1, 2 * E)),
                full((1, 2 * E)), full((1, 2 * E)),
                full((2 * E, 2 * E)), full((1, 2 * E)),
                full((1, 2 * E)), full((1, 2 * E)),
            ],
            out_specs=pl.BlockSpec((1, M3, D), lambda b_, i: (b_, i, 0)),
            out_shape=jax.ShapeDtypeStruct((1, N, D), jnp.float32),
        )(qgs[b], x[b:b + 1], *consts)
        outs.append(out_b)
    return jnp.concatenate(outs, axis=0)

# --- scband reference (transcript-rebuilt; emitter-appended) ---
"""Pipeline reference for scband-dynamic-edge-conv-81664508166585 (READ-ONLY COPY).

The authoritative reference and input builder live on the scoring server;
editing this copy changes nothing except your own understanding.
"""

import jax, jax.numpy as jnp
import numpy as np

B, N, D, EMBED, K = 4, 4096, 64, 64, 16

def _layernorm(h, g, b, eps=1e-5):
    mu = jnp.mean(h, axis=-1, keepdims=True)
    var = jnp.mean((h - mu) ** 2, axis=-1, keepdims=True)
    return (h - mu) / jnp.sqrt(var + eps) * g + b

def setup_inputs(seed: int = 0) -> dict:
    key = jax.random.key(seed)
    ks = jax.random.split(key, 8)
    x = jax.random.normal(ks[0], (B, N, D), dtype=jnp.float32)
    coordinates = jax.random.normal(ks[1], (B, N, 3), dtype=jnp.float32)
    s1 = 1.0 / np.sqrt(2 * D)
    s2 = 1.0 / np.sqrt(EMBED)
    W1 = jax.random.normal(ks[2], (2 * D, EMBED), dtype=jnp.float32) * s1
    b1 = jnp.zeros((EMBED,), jnp.float32)
    g1 = jnp.ones((EMBED,), jnp.float32); be1 = jnp.zeros((EMBED,), jnp.float32)
    W2 = jax.random.normal(ks[3], (EMBED, EMBED), dtype=jnp.float32) * s2
    b2 = jnp.zeros((EMBED,), jnp.float32)
    g2 = jnp.ones((EMBED,), jnp.float32); be2 = jnp.zeros((EMBED,), jnp.float32)
    W3 = jax.random.normal(ks[4], (EMBED, EMBED), dtype=jnp.float32) * s2
    b3 = jnp.zeros((EMBED,), jnp.float32)
    g3 = jnp.ones((EMBED,), jnp.float32); be3 = jnp.zeros((EMBED,), jnp.float32)
    return {"x": x, "coordinates": coordinates,
            "W1": W1, "b1": b1, "g1": g1, "be1": be1,
            "W2": W2, "b2": b2, "g2": g2, "be2": be2,
            "W3": W3, "b3": b3, "g3": g3, "be3": be3}

def reference(x, coordinates, W1, b1, g1, be1, W2, b2, g2, be2, W3, b3, g3, be3):
    Bc, Nc, Dc = x.shape
    # pairwise euclidean distances (cdist p=2)
    sq = jnp.sum(coordinates ** 2, axis=-1)
    d2 = sq[:, :, None] + sq[:, None, :] - 2.0 * jnp.einsum('bnd,bmd->bnm', coordinates, coordinates)
    dist = jnp.sqrt(jnp.maximum(d2, 0.0))
    # k smallest -> top_k of negated distances
    _, idx = jax.lax.top_k(-dist, K)  # [B, N, K]
    # gather neighbor features
    neighbors = jax.vmap(lambda xb, ib: xb[ib])(x, idx)  # [B, N, K, D]
    central = jnp.broadcast_to(x[:, :, None, :], (Bc, Nc, K, Dc))
    rel = neighbors - central
    comb = jnp.concatenate([central, rel], axis=-1).reshape(-1, 2 * Dc)
    h = jax.nn.gelu(_layernorm(comb @ W1 + b1, g1, be1), approximate=False)
    h = jax.nn.gelu(_layernorm(h @ W2 + b2, g2, be2), approximate=False)
    h = jax.nn.gelu(_layernorm(h @ W3 + b3, g3, be3), approximate=False)
    h = h.reshape(Bc, Nc, K, -1)
    agg = jnp.max(h, axis=2)
    # shortcut is Identity since in_channels == embed_dim
    out = agg + x
    return jax.nn.gelu(out, approximate=False)

if __name__ == "__main__":
    import jax
    _d = setup_inputs()
    print(jax.jit(kernel)(*tuple(_d.values())))

</pallas_src>

<mosaic_0001>
#map = affine_map<(d0, d1) -> (0, 0)>
#map1 = affine_map<(d0, d1) -> (0)>
module attributes {stable_mosaic.version = 14 : i64} {
  func.func @gather_k(%arg0: i32, %arg1: i32, %arg2: memref<4096x64xf32, #tpu.memory_space<hbm>>, %arg3: memref<65536xi32, #tpu.memory_space<hbm>>, %arg4: memref<65536x64xf32, #tpu.memory_space<hbm>>, %arg5: memref<128xi32, #tpu.memory_space<vmem>>, %arg6: memref<128x64xf32, #tpu.memory_space<vmem>>, %arg7: memref<!tpu.dma_semaphore, #tpu.memory_space<semaphore_mem>>) attributes {dimension_semantics = [#tpu.dimension_semantics<core_parallel>, #tpu.dimension_semantics<subcore_parallel>], iteration_bounds = array<i64: 2, 16>, scalar_prefetch = 0 : i64, scratch_operands = 3 : i64, tpu.core_type = #tpu.core_type<sc_vector_subcore>, window_params = [{transform_indices = #map}, {transform_indices = #map1}, {transform_indices = #map}]} {
    %mul3A = arith.constant 2 : i32
    %mul3A_0 = arith.muli %arg1, %mul3A : i32
    %add3A = arith.addi %mul3A_0, %arg0 : i32
    %mul3A_1 = arith.constant 2048 : i32
    %mul3A_2 = arith.muli %add3A, %mul3A_1 : i32
    %scan3A = arith.constant 0 : i32
    %scan3A_3 = arith.constant 0 : i32
    %scan3A_4 = arith.constant 16 : i32
    %scan3A_5 = arith.addi %scan3A_3, %scan3A_4 : i32
    %scan3A_6 = arith.constant 1 : i32
    %scan3A_7 = scf.for %scan3A_9 = %scan3A_3 to %scan3A_5 step %scan3A_6 iter_args(%scan3A_10 = %scan3A) -> (i32)  : i32 {
      %mul3A_11 = arith.constant 128 : i32
      %mul3A_12 = arith.muli %scan3A_9, %mul3A_11 : i32
      %add3A_13 = arith.addi %mul3A_2, %mul3A_12 : i32
      "tpu.region"() ({
        %run_scoped3A = tpu.sem_alloc : memref<!tpu.dma_semaphore, #tpu.memory_space<semaphore_mem>>
        %dma_start3A_19 = tpu.memref_slice %arg3[%add3A_13] : memref<65536xi32, #tpu.memory_space<hbm>> -> memref<128xi32, #tpu.memory_space<hbm>>
        %dma_start3A_20 = tpu.memref_slice %arg3[%add3A_13] : memref<65536xi32, #tpu.memory_space<hbm>> -> memref<128xi32, #tpu.memory_space<hbm>>
        tpu.enqueue_dma source(%dma_start3A_20 : memref<128xi32, #tpu.memory_space<hbm>>) target(%arg5 : memref<128xi32, #tpu.memory_space<vmem>>) target_semaphore(%run_scoped3A : memref<!tpu.dma_semaphore, #tpu.memory_space<semaphore_mem>>)
        %dma_wait3A_21 = tpu.memref_slice %arg3[%add3A_13] : memref<65536xi32, #tpu.memory_space<hbm>> -> memref<128xi32, #tpu.memory_space<hbm>>
        %dma_wait3A_22 = tpu.memref_slice %arg3[%add3A_13] : memref<65536xi32, #tpu.memory_space<hbm>> -> memref<128xi32, #tpu.memory_space<hbm>>
        tpu.wait_dma2 semaphore(%run_scoped3A : memref<!tpu.dma_semaphore, #tpu.memory_space<semaphore_mem>>) src(%dma_wait3A_22 : memref<128xi32, #tpu.memory_space<hbm>>) dst(%arg5 : memref<128xi32, #tpu.memory_space<vmem>>)
        tpu.yield
      }) : () -> ()
      %dma_start3A = arith.constant 0 : i32
      %dma_start3A_14 = arith.constant 0 : i32
      %dma_start3A_15 = tpu.memref_slice %arg2[%dma_start3A, %dma_start3A_14] : memref<4096x64xf32, #tpu.memory_space<hbm>> -> memref<4096x64xf32, #tpu.memory_space<hbm>>
      tpu.enqueue_indirect_dma source(%dma_start3A_15 : memref<4096x64xf32, #tpu.memory_space<hbm>>) target(%arg6 : memref<128x64xf32, #tpu.memory_space<vmem>>) offsets(%arg5 : memref<128xi32, #tpu.memory_space<vmem>>) semaphore(%arg7 : memref<!tpu.dma_semaphore, #tpu.memory_space<semaphore_mem>>)
      %dma_wait3A = arith.constant 0 : i32
      %dma_wait3A_16 = arith.constant 0 : i32
      %dma_wait3A_17 = tpu.memref_slice %arg2[%dma_wait3A, %dma_wait3A_16] : memref<4096x64xf32, #tpu.memory_space<hbm>> -> memref<4096x64xf32, #tpu.memory_space<hbm>>
      tpu.wait_indirect_dma semaphore(%arg7 : memref<!tpu.dma_semaphore, #tpu.memory_space<semaphore_mem>>) src(%dma_wait3A_17 : memref<4096x64xf32, #tpu.memory_space<hbm>>) dst(%arg6 : memref<128x64xf32, #tpu.memory_space<vmem>>)
      "tpu.region"() ({
        %run_scoped3A = tpu.sem_alloc : memref<!tpu.dma_semaphore, #tpu.memory_space<semaphore_mem>>
        %dma_start3A_19 = arith.constant 0 : i32
        %dma_start3A_20 = tpu.memref_slice %arg4[%add3A_13, %dma_start3A_19] : memref<65536x64xf32, #tpu.memory_space<hbm>> -> memref<128x64xf32, #tpu.memory_space<hbm>>
        %dma_start3A_21 = arith.constant 0 : i32
        %dma_start3A_22 = tpu.memref_slice %arg4[%add3A_13, %dma_start3A_21] : memref<65536x64xf32, #tpu.memory_space<hbm>> -> memref<128x64xf32, #tpu.memory_space<hbm>>
        tpu.enqueue_dma source(%arg6 : memref<128x64xf32, #tpu.memory_space<vmem>>) target(%dma_start3A_22 : memref<128x64xf32, #tpu.memory_space<hbm>>) target_semaphore(%run_scoped3A : memref<!tpu.dma_semaphore, #tpu.memory_space<semaphore_mem>>)
        %dma_wait3A_23 = arith.constant 0 : i32
        %dma_wait3A_24 = tpu.memref_slice %arg4[%add3A_13, %dma_wait3A_23] : memref<65536x64xf32, #tpu.memory_space<hbm>> -> memref<128x64xf32, #tpu.memory_space<hbm>>
        %dma_wait3A_25 = arith.constant 0 : i32
        %dma_wait3A_26 = tpu.memref_slice %arg4[%add3A_13, %dma_wait3A_25] : memref<65536x64xf32, #tpu.memory_space<hbm>> -> memref<128x64xf32, #tpu.memory_space<hbm>>
        tpu.wait_dma2 semaphore(%run_scoped3A : memref<!tpu.dma_semaphore, #tpu.memory_space<semaphore_mem>>) src(%arg6 : memref<128x64xf32, #tpu.memory_space<vmem>>) dst(%dma_wait3A_26 : memref<128x64xf32, #tpu.memory_space<hbm>>)
        tpu.yield
      }) : () -> ()
      %scan3A_18 = arith.constant 0 : i32
      scf.yield %scan3A_18 : i32
    }
    %scan3A_8 = arith.constant 16 : i32
    return
  }
}

#map = affine_map<(d0, d1) -> (0, 0)>
#map1 = affine_map<(d0, d1) -> (0)>
module attributes {stable_mosaic.version = 14 : i64} {
  func.func @gather_k(%arg0: i32, %arg1: i32, %arg2: memref<4096x64xf32, #tpu.memory_space<hbm>>, %arg3: memref<65536xi32, #tpu.memory_space<hbm>>, %arg4: memref<65536x64xf32, #tpu.memory_space<hbm>>, %arg5: memref<128xi32, #tpu.memory_space<vmem>>, %arg6: memref<128x64xf32, #tpu.memory_space<vmem>>, %arg7: memref<!tpu.dma_semaphore, #tpu.memory_space<semaphore_mem>>) attributes {dimension_semantics = [#tpu.dimension_semantics<core_parallel>, #tpu.dimension_semantics<subcore_parallel>], iteration_bounds = array<i64: 2, 16>, scalar_prefetch = 0 : i64, scratch_operands = 3 : i64, tpu.core_type = #tpu.core_type<sc_vector_subcore>, window_params = [{transform_indices = #map}, {transform_indices = #map1}, {transform_indices = #map}]} {
    %mul3A = arith.constant 2 : i32
    %mul3A_0 = arith.muli %arg1, %mul3A : i32
    %add3A = arith.addi %mul3A_0, %arg0 : i32
    %mul3A_1 = arith.constant 2048 : i32
    %mul3A_2 = arith.muli %add3A, %mul3A_1 : i32
    %scan3A = arith.constant 0 : i32
    %scan3A_3 = arith.constant 0 : i32
    %scan3A_4 = arith.constant 16 : i32
    %scan3A_5 = arith.addi %scan3A_3, %scan3A_4 : i32
    %scan3A_6 = arith.constant 1 : i32
    %scan3A_7 = scf.for %scan3A_9 = %scan3A_3 to %scan3A_5 step %scan3A_6 iter_args(%scan3A_10 = %scan3A) -> (i32)  : i32 {
      %mul3A_11 = arith.constant 128 : i32
      %mul3A_12 = arith.muli %scan3A_9, %mul3A_11 : i32
      %add3A_13 = arith.addi %mul3A_2, %mul3A_12 : i32
      "tpu.region"() ({
        %run_scoped3A = tpu.sem_alloc : memref<!tpu.dma_semaphore, #tpu.memory_space<semaphore_mem>>
        %dma_start3A_19 = tpu.memref_slice %arg3[%add3A_13] : memref<65536xi32, #tpu.memory_space<hbm>> -> memref<128xi32, #tpu.memory_space<hbm>>
        %dma_start3A_20 = tpu.memref_slice %arg3[%add3A_13] : memref<65536xi32, #tpu.memory_space<hbm>> -> memref<128xi32, #tpu.memory_space<hbm>>
        tpu.enqueue_dma source(%dma_start3A_20 : memref<128xi32, #tpu.memory_space<hbm>>) target(%arg5 : memref<128xi32, #tpu.memory_space<vmem>>) target_semaphore(%run_scoped3A : memref<!tpu.dma_semaphore, #tpu.memory_space<semaphore_mem>>)
        %dma_wait3A_21 = tpu.memref_slice %arg3[%add3A_13] : memref<65536xi32, #tpu.memory_space<hbm>> -> memref<128xi32, #tpu.memory_space<hbm>>
        %dma_wait3A_22 = tpu.memref_slice %arg3[%add3A_13] : memref<65536xi32, #tpu.memory_space<hbm>> -> memref<128xi32, #tpu.memory_space<hbm>>
        tpu.wait_dma2 semaphore(%run_scoped3A : memref<!tpu.dma_semaphore, #tpu.memory_space<semaphore_mem>>) src(%dma_wait3A_22 : memref<128xi32, #tpu.memory_space<hbm>>) dst(%arg5 : memref<128xi32, #tpu.memory_space<vmem>>)
        tpu.yield
      }) : () -> ()
      %dma_start3A = arith.constant 0 : i32
      %dma_start3A_14 = arith.constant 0 : i32
      %dma_start3A_15 = tpu.memref_slice %arg2[%dma_start3A, %dma_start3A_14] : memref<4096x64xf32, #tpu.memory_space<hbm>> -> memref<4096x64xf32, #tpu.memory_space<hbm>>
      tpu.enqueue_indirect_dma source(%dma_start3A_15 : memref<4096x64xf32, #tpu.memory_space<hbm>>) target(%arg6 : memref<128x64xf32, #tpu.memory_space<vmem>>) offsets(%arg5 : memref<128xi32, #tpu.memory_space<vmem>>) semaphore(%arg7 : memref<!tpu.dma_semaphore, #tpu.memory_space<semaphore_mem>>)
      %dma_wait3A = arith.constant 0 : i32
      %dma_wait3A_16 = arith.constant 0 : i32
      %dma_wait3A_17 = tpu.memref_slice %arg2[%dma_wait3A, %dma_wait3A_16] : memref<4096x64xf32, #tpu.memory_space<hbm>> -> memref<4096x64xf32, #tpu.memory_space<hbm>>
      tpu.wait_indirect_dma semaphore(%arg7 : memref<!tpu.dma_semaphore, #tpu.memory_space<semaphore_mem>>) src(%dma_wait3A_17 : memref<4096x64xf32, #tpu.memory_space<hbm>>) dst(%arg6 : memref<128x64xf32, #tpu.memory_space<vmem>>)
      "tpu.region"() ({
        %run_scoped3A = tpu.sem_alloc : memref<!tpu.dma_semaphore, #tpu.memory_space<semaphore_mem>>
        %dma_start3A_19 = arith.constant 0 : i32
        %dma_start3A_20 = tpu.memref_slice %arg4[%add3A_13, %dma_start3A_19] : memref<65536x64xf32, #tpu.memory_space<hbm>> -> memref<128x64xf32, #tpu.memory_space<hbm>>
        %dma_start3A_21 = arith.constant 0 : i32
        %dma_start3A_22 = tpu.memref_slice %arg4[%add3A_13, %dma_start3A_21] : memref<65536x64xf32, #tpu.memory_space<hbm>> -> memref<128x64xf32, #tpu.memory_space<hbm>>
        tpu.enqueue_dma source(%arg6 : memref<128x64xf32, #tpu.memory_space<vmem>>) target(%dma_start3A_22 : memref<128x64xf32, #tpu.memory_space<hbm>>) target_semaphore(%run_scoped3A : memref<!tpu.dma_semaphore, #tpu.memory_space<semaphore_mem>>)
        %dma_wait3A_23 = arith.constant 0 : i32
        %dma_wait3A_24 = tpu.memref_slice %arg4[%add3A_13, %dma_wait3A_23] : memref<65536x64xf32, #tpu.memory_space<hbm>> -> memref<128x64xf32, #tpu.memory_space<hbm>>
        %dma_wait3A_25 = arith.constant 0 : i32
        %dma_wait3A_26 = tpu.memref_slice %arg4[%add3A_13, %dma_wait3A_25] : memref<65536x64xf32, #tpu.memory_space<hbm>> -> memref<128x64xf32, #tpu.memory_space<hbm>>
        tpu.wait_dma2 semaphore(%run_scoped3A : memref<!tpu.dma_semaphore, #tpu.memory_space<semaphore_mem>>) src(%arg6 : memref<128x64xf32, #tpu.memory_space<vmem>>) dst(%dma_wait3A_26 : memref<128x64xf32, #tpu.memory_space<hbm>>)
        tpu.yield
      }) : () -> ()
      %scan3A_18 = arith.constant 0 : i32
      scf.yield %scan3A_18 : i32
    }
    %scan3A_8 = arith.constant 16 : i32
    return
  }
}

#map = affine_map<(d0, d1) -> (0, 0)>
#map1 = affine_map<(d0, d1) -> (0)>
module attributes {stable_mosaic.version = 14 : i64} {
  func.func @gather_k(%arg0: i32, %arg1: i32, %arg2: memref<4096x64xf32, #tpu.memory_space<hbm>>, %arg3: memref<65536xi32, #tpu.memory_space<hbm>>, %arg4: memref<65536x64xf32, #tpu.memory_space<hbm>>, %arg5: memref<128xi32, #tpu.memory_space<vmem>>, %arg6: memref<128x64xf32, #tpu.memory_space<vmem>>, %arg7: memref<!tpu.dma_semaphore, #tpu.memory_space<semaphore_mem>>) attributes {dimension_semantics = [#tpu.dimension_semantics<core_parallel>, #tpu.dimension_semantics<subcore_parallel>], iteration_bounds = array<i64: 2, 16>, scalar_prefetch = 0 : i64, scratch_operands = 3 : i64, tpu.core_type = #tpu.core_type<sc_vector_subcore>, window_params = [{transform_indices = #map}, {transform_indices = #map1}, {transform_indices = #map}]} {
    %mul3A = arith.constant 2 : i32
    %mul3A_0 = arith.muli %arg1, %mul3A : i32
    %add3A = arith.addi %mul3A_0, %arg0 : i32
    %mul3A_1 = arith.constant 2048 : i32
    %mul3A_2 = arith.muli %add3A, %mul3A_1 : i32
    %scan3A = arith.constant 0 : i32
    %scan3A_3 = arith.constant 0 : i32
    %scan3A_4 = arith.constant 16 : i32
    %scan3A_5 = arith.addi %scan3A_3, %scan3A_4 : i32
    %scan3A_6 = arith.constant 1 : i32
    %scan3A_7 = scf.for %scan3A_9 = %scan3A_3 to %scan3A_5 step %scan3A_6 iter_args(%scan3A_10 = %scan3A) -> (i32)  : i32 {
      %mul3A_11 = arith.constant 128 : i32
      %mul3A_12 = arith.muli %scan3A_9, %mul3A_11 : i32
      %add3A_13 = arith.addi %mul3A_2, %mul3A_12 : i32
      "tpu.region"() ({
        %run_scoped3A = tpu.sem_alloc : memref<!tpu.dma_semaphore, #tpu.memory_space<semaphore_mem>>
        %dma_start3A_19 = tpu.memref_slice %arg3[%add3A_13] : memref<65536xi32, #tpu.memory_space<hbm>> -> memref<128xi32, #tpu.memory_space<hbm>>
        %dma_start3A_20 = tpu.memref_slice %arg3[%add3A_13] : memref<65536xi32, #tpu.memory_space<hbm>> -> memref<128xi32, #tpu.memory_space<hbm>>
        tpu.enqueue_dma source(%dma_start3A_20 : memref<128xi32, #tpu.memory_space<hbm>>) target(%arg5 : memref<128xi32, #tpu.memory_space<vmem>>) target_semaphore(%run_scoped3A : memref<!tpu.dma_semaphore, #tpu.memory_space<semaphore_mem>>)
        %dma_wait3A_21 = tpu.memref_slice %arg3[%add3A_13] : memref<65536xi32, #tpu.memory_space<hbm>> -> memref<128xi32, #tpu.memory_space<hbm>>
        %dma_wait3A_22 = tpu.memref_slice %arg3[%add3A_13] : memref<65536xi32, #tpu.memory_space<hbm>> -> memref<128xi32, #tpu.memory_space<hbm>>
        tpu.wait_dma2 semaphore(%run_scoped3A : memref<!tpu.dma_semaphore, #tpu.memory_space<semaphore_mem>>) src(%dma_wait3A_22 : memref<128xi32, #tpu.memory_space<hbm>>) dst(%arg5 : memref<128xi32, #tpu.memory_space<vmem>>)
        tpu.yield
      }) : () -> ()
      %dma_start3A = arith.constant 0 : i32
      %dma_start3A_14 = arith.constant 0 : i32
      %dma_start3A_15 = tpu.memref_slice %arg2[%dma_start3A, %dma_start3A_14] : memref<4096x64xf32, #tpu.memory_space<hbm>> -> memref<4096x64xf32, #tpu.memory_space<hbm>>
      tpu.enqueue_indirect_dma source(%dma_start3A_15 : memref<4096x64xf32, #tpu.memory_space<hbm>>) target(%arg6 : memref<128x64xf32, #tpu.memory_space<vmem>>) offsets(%arg5 : memref<128xi32, #tpu.memory_space<vmem>>) semaphore(%arg7 : memref<!tpu.dma_semaphore, #tpu.memory_space<semaphore_mem>>)
      %dma_wait3A = arith.constant 0 : i32
      %dma_wait3A_16 = arith.constant 0 : i32
      %dma_wait3A_17 = tpu.memref_slice %arg2[%dma_wait3A, %dma_wait3A_16] : memref<4096x64xf32, #tpu.memory_space<hbm>> -> memref<4096x64xf32, #tpu.memory_space<hbm>>
      tpu.wait_indirect_dma semaphore(%arg7 : memref<!tpu.dma_semaphore, #tpu.memory_space<semaphore_mem>>) src(%dma_wait3A_17 : memref<4096x64xf32, #tpu.memory_space<hbm>>) dst(%arg6 : memref<128x64xf32, #tpu.memory_space<vmem>>)
      "tpu.region"() ({
        %run_scoped3A = tpu.sem_alloc : memref<!tpu.dma_semaphore, #tpu.memory_space<semaphore_mem>>
        %dma_start3A_19 = arith.constant 0 : i32
        %dma_start3A_20 = tpu.memref_slice %arg4[%add3A_13, %dma_start3A_19] : memref<65536x64xf32, #tpu.memory_space<hbm>> -> memref<128x64xf32, #tpu.memory_space<hbm>>
        %dma_start3A_21 = arith.constant 0 : i32
        %dma_start3A_22 = tpu.memref_slice %arg4[%add3A_13, %dma_start3A_21] : memref<65536x64xf32, #tpu.memory_space<hbm>> -> memref<128x64xf32, #tpu.memory_space<hbm>>
        tpu.enqueue_dma source(%arg6 : memref<128x64xf32, #tpu.memory_space<vmem>>) target(%dma_start3A_22 : memref<128x64xf32, #tpu.memory_space<hbm>>) target_semaphore(%run_scoped3A : memref<!tpu.dma_semaphore, #tpu.memory_space<semaphore_mem>>)
        %dma_wait3A_23 = arith.constant 0 : i32
        %dma_wait3A_24 = tpu.memref_slice %arg4[%add3A_13, %dma_wait3A_23] : memref<65536x64xf32, #tpu.memory_space<hbm>> -> memref<128x64xf32, #tpu.memory_space<hbm>>
        %dma_wait3A_25 = arith.constant 0 : i32
        %dma_wait3A_26 = tpu.memref_slice %arg4[%add3A_13, %dma_wait3A_25] : memref<65536x64xf32, #tpu.memory_space<hbm>> -> memref<128x64xf32, #tpu.memory_space<hbm>>
        tpu.wait_dma2 semaphore(%run_scoped3A : memref<!tpu.dma_semaphore, #tpu.memory_space<semaphore_mem>>) src(%arg6 : memref<128x64xf32, #tpu.memory_space<vmem>>) dst(%dma_wait3A_26 : memref<128x64xf32, #tpu.memory_space<hbm>>)
        tpu.yield
      }) : () -> ()
      %scan3A_18 = arith.constant 0 : i32
      scf.yield %scan3A_18 : i32
    }
    %scan3A_8 = arith.constant 16 : i32
    return
  }
}

#map = affine_map<(d0, d1) -> (0, 0)>
#map1 = affine_map<(d0, d1) -> (0)>
module attributes {stable_mosaic.version = 14 : i64} {
  func.func @gather_k(%arg0: i32, %arg1: i32, %arg2: memref<4096x64xf32, #tpu.memory_space<hbm>>, %arg3: memref<65536xi32, #tpu.memory_space<hbm>>, %arg4: memref<65536x64xf32, #tpu.memory_space<hbm>>, %arg5: memref<128xi32, #tpu.memory_space<vmem>>, %arg6: memref<128x64xf32, #tpu.memory_space<vmem>>, %arg7: memref<!tpu.dma_semaphore, #tpu.memory_space<semaphore_mem>>) attributes {dimension_semantics = [#tpu.dimension_semantics<core_parallel>, #tpu.dimension_semantics<subcore_parallel>], iteration_bounds = array<i64: 2, 16>, scalar_prefetch = 0 : i64, scratch_operands = 3 : i64, tpu.core_type = #tpu.core_type<sc_vector_subcore>, window_params = [{transform_indices = #map}, {transform_indices = #map1}, {transform_indices = #map}]} {
    %mul3A = arith.constant 2 : i32
    %mul3A_0 = arith.muli %arg1, %mul3A : i32
    %add3A = arith.addi %mul3A_0, %arg0 : i32
    %mul3A_1 = arith.constant 2048 : i32
    %mul3A_2 = arith.muli %add3A, %mul3A_1 : i32
    %scan3A = arith.constant 0 : i32
    %scan3A_3 = arith.constant 0 : i32
    %scan3A_4 = arith.constant 16 : i32
    %scan3A_5 = arith.addi %scan3A_3, %scan3A_4 : i32
    %scan3A_6 = arith.constant 1 : i32
    %scan3A_7 = scf.for %scan3A_9 = %scan3A_3 to %scan3A_5 step %scan3A_6 iter_args(%scan3A_10 = %scan3A) -> (i32)  : i32 {
      %mul3A_11 = arith.constant 128 : i32
      %mul3A_12 = arith.muli %scan3A_9, %mul3A_11 : i32
      %add3A_13 = arith.addi %mul3A_2, %mul3A_12 : i32
      "tpu.region"() ({
        %run_scoped3A = tpu.sem_alloc : memref<!tpu.dma_semaphore, #tpu.memory_space<semaphore_mem>>
        %dma_start3A_19 = tpu.memref_slice %arg3[%add3A_13] : memref<65536xi32, #tpu.memory_space<hbm>> -> memref<128xi32, #tpu.memory_space<hbm>>
        %dma_start3A_20 = tpu.memref_slice %arg3[%add3A_13] : memref<65536xi32, #tpu.memory_space<hbm>> -> memref<128xi32, #tpu.memory_space<hbm>>
        tpu.enqueue_dma source(%dma_start3A_20 : memref<128xi32, #tpu.memory_space<hbm>>) target(%arg5 : memref<128xi32, #tpu.memory_space<vmem>>) target_semaphore(%run_scoped3A : memref<!tpu.dma_semaphore, #tpu.memory_space<semaphore_mem>>)
        %dma_wait3A_21 = tpu.memref_slice %arg3[%add3A_13] : memref<65536xi32, #tpu.memory_space<hbm>> -> memref<128xi32, #tpu.memory_space<hbm>>
        %dma_wait3A_22 = tpu.memref_slice %arg3[%add3A_13] : memref<65536xi32, #tpu.memory_space<hbm>> -> memref<128xi32, #tpu.memory_space<hbm>>
        tpu.wait_dma2 semaphore(%run_scoped3A : memref<!tpu.dma_semaphore, #tpu.memory_space<semaphore_mem>>) src(%dma_wait3A_22 : memref<128xi32, #tpu.memory_space<hbm>>) dst(%arg5 : memref<128xi32, #tpu.memory_space<vmem>>)
        tpu.yield
      }) : () -> ()
      %dma_start3A = arith.constant 0 : i32
      %dma_start3A_14 = arith.constant 0 : i32
      %dma_start3A_15 = tpu.memref_slice %arg2[%dma_start3A, %dma_start3A_14] : memref<4096x64xf32, #tpu.memory_space<hbm>> -> memref<4096x64xf32, #tpu.memory_space<hbm>>
      tpu.enqueue_indirect_dma source(%dma_start3A_15 : memref<4096x64xf32, #tpu.memory_space<hbm>>) target(%arg6 : memref<128x64xf32, #tpu.memory_space<vmem>>) offsets(%arg5 : memref<128xi32, #tpu.memory_space<vmem>>) semaphore(%arg7 : memref<!tpu.dma_semaphore, #tpu.memory_space<semaphore_mem>>)
      %dma_wait3A = arith.constant 0 : i32
      %dma_wait3A_16 = arith.constant 0 : i32
      %dma_wait3A_17 = tpu.memref_slice %arg2[%dma_wait3A, %dma_wait3A_16] : memref<4096x64xf32, #tpu.memory_space<hbm>> -> memref<4096x64xf32, #tpu.memory_space<hbm>>
      tpu.wait_indirect_dma semaphore(%arg7 : memref<!tpu.dma_semaphore, #tpu.memory_space<semaphore_mem>>) src(%dma_wait3A_17 : memref<4096x64xf32, #tpu.memory_space<hbm>>) dst(%arg6 : memref<128x64xf32, #tpu.memory_space<vmem>>)
      "tpu.region"() ({
        %run_scoped3A = tpu.sem_alloc : memref<!tpu.dma_semaphore, #tpu.memory_space<semaphore_mem>>
        %dma_start3A_19 = arith.constant 0 : i32
        %dma_start3A_20 = tpu.memref_slice %arg4[%add3A_13, %dma_start3A_19] : memref<65536x64xf32, #tpu.memory_space<hbm>> -> memref<128x64xf32, #tpu.memory_space<hbm>>
        %dma_start3A_21 = arith.constant 0 : i32
        %dma_start3A_22 = tpu.memref_slice %arg4[%add3A_13, %dma_start3A_21] : memref<65536x64xf32, #tpu.memory_space<hbm>> -> memref<128x64xf32, #tpu.memory_space<hbm>>
        tpu.enqueue_dma source(%arg6 : memref<128x64xf32, #tpu.memory_space<vmem>>) target(%dma_start3A_22 : memref<128x64xf32, #tpu.memory_space<hbm>>) target_semaphore(%run_scoped3A : memref<!tpu.dma_semaphore, #tpu.memory_space<semaphore_mem>>)
        %dma_wait3A_23 = arith.constant 0 : i32
        %dma_wait3A_24 = tpu.memref_slice %arg4[%add3A_13, %dma_wait3A_23] : memref<65536x64xf32, #tpu.memory_space<hbm>> -> memref<128x64xf32, #tpu.memory_space<hbm>>
        %dma_wait3A_25 = arith.constant 0 : i32
        %dma_wait3A_26 = tpu.memref_slice %arg4[%add3A_13, %dma_wait3A_25] : memref<65536x64xf32, #tpu.memory_space<hbm>> -> memref<128x64xf32, #tpu.memory_space<hbm>>
        tpu.wait_dma2 semaphore(%run_scoped3A : memref<!tpu.dma_semaphore, #tpu.memory_space<semaphore_mem>>) src(%arg6 : memref<128x64xf32, #tpu.memory_space<vmem>>) dst(%dma_wait3A_26 : memref<128x64xf32, #tpu.memory_space<hbm>>)
        tpu.yield
      }) : () -> ()
      %scan3A_18 = arith.constant 0 : i32
      scf.yield %scan3A_18 : i32
    }
    %scan3A_8 = arith.constant 16 : i32
    return
  }
}

module attributes {stable_mosaic.version = 14 : i64} {
  func.func @_topk_q_body(%arg0: i32, %arg1: i32, %arg2: memref<1x512x3xf32, #tpu.memory_space<vmem>>, %arg3: memref<1x3x4096xf32, #tpu.memory_space<vmem>>, %arg4: memref<1x512x64xf32, #tpu.memory_space<vmem>>, %arg5: memref<64x64xf32, #tpu.memory_space<vmem>>, %arg6: memref<1x512x16xi32, #tpu.memory_space<vmem>>, %arg7: memref<1x512x64xf32, #tpu.memory_space<vmem>>) attributes {dimension_semantics = [#tpu.dimension_semantics<arbitrary>, #tpu.dimension_semantics<arbitrary>], iteration_bounds = array<i64: 1, 8>, scalar_prefetch = 0 : i64, scratch_operands = 0 : i64, tpu.core_type = #tpu.core_type<tc>, window_params = [{transform_indices = @transform_0, window_bounds = array<i64: 1, 512, 3>}, {transform_indices = @transform_1, window_bounds = array<i64: 1, 3, 4096>}, {transform_indices = @transform_2, window_bounds = array<i64: 1, 512, 64>}, {pipeline_mode = #tpu.pipeline_mode<synchronous>, transform_indices = @transform_3, window_bounds = array<i64: 64, 64>}, {transform_indices = @transform_4, window_bounds = array<i64: 1, 512, 16>}, {transform_indices = @transform_5, window_bounds = array<i64: 1, 512, 64>}]} {
    %get3A = arith.constant 0 : index
    %get3A_0 = arith.constant 0 : index
    %get3A_1 = arith.constant 0 : index
    %get3A_2 = vector.load %arg2[%get3A, %get3A_0, %get3A_1] : memref<1x512x3xf32, #tpu.memory_space<vmem>>, vector<1x512x3xf32>
    %get3A_3 = vector.shape_cast %get3A_2 : vector<1x512x3xf32> to vector<512x3xf32>
    %get3A_4 = arith.constant 0 : index
    %get3A_5 = arith.constant 0 : index
    %get3A_6 = arith.constant 0 : index
    %get3A_7 = vector.load %arg3[%get3A_4, %get3A_5, %get3A_6] : memref<1x3x4096xf32, #tpu.memory_space<vmem>>, vector<1x3x4096xf32>
    %get3A_8 = vector.shape_cast %get3A_7 : vector<1x3x4096xf32> to vector<3x4096xf32>
    %bitcast_convert_type3A = tpu.bitcast %get3A_3 : vector<512x3xf32> -> vector<512x3xi32>
    %add3A = arith.constant 32767 : i32
    %add3A_9 = vector.broadcast %add3A : i32 to vector<512x3xi32>
    %add3A_10 = arith.addi %bitcast_convert_type3A, %add3A_9 : vector<512x3xi32>
    %shift_right_logical3A = arith.constant 16 : i32
    %shift_right_logical3A_11 = vector.broadcast %shift_right_logical3A : i32 to vector<512x3xi32>
    %shift_right_logical3A_12 = arith.shrui %bitcast_convert_type3A, %shift_right_logical3A_11 : vector<512x3xi32>
    %and3A = arith.constant 1 : i32
    %and3A_13 = vector.broadcast %and3A : i32 to vector<512x3xi32>
    %and3A_14 = arith.andi %shift_right_logical3A_12, %and3A_13 : vector<512x3xi32>
    %add3A_15 = arith.addi %add3A_10, %and3A_14 : vector<512x3xi32>
    %and3A_16 = arith.constant -65536 : i32
    %and3A_17 = vector.broadcast %and3A_16 : i32 to vector<512x3xi32>
    %and3A_18 = arith.andi %add3A_15, %and3A_17 : vector<512x3xi32>
    %bitcast_convert_type3A_19 = tpu.bitcast %and3A_18 : vector<512x3xi32> -> vector<512x3xf32>
    %bitcast_convert_type3A_20 = tpu.bitcast %get3A_8 : vector<3x4096xf32> -> vector<3x4096xi32>
    %add3A_21 = arith.constant 32767 : i32
    %add3A_22 = vector.broadcast %add3A_21 : i32 to vector<3x4096xi32>
    %add3A_23 = arith.addi %bitcast_convert_type3A_20, %add3A_22 : vector<3x4096xi32>
    %shift_right_logical3A_24 = arith.constant 16 : i32
    %shift_right_logical3A_25 = vector.broadcast %shift_right_logical3A_24 : i32 to vector<3x4096xi32>
    %shift_right_logical3A_26 = arith.shrui %bitcast_convert_type3A_20, %shift_right_logical3A_25 : vector<3x4096xi32>
    %and3A_27 = arith.constant 1 : i32
    %and3A_28 = vector.broadcast %and3A_27 : i32 to vector<3x4096xi32>
    %and3A_29 = arith.andi %shift_right_logical3A_26, %and3A_28 : vector<3x4096xi32>
    %add3A_30 = arith.addi %add3A_23, %and3A_29 : vector<3x4096xi32>
    %and3A_31 = arith.constant -65536 : i32
    %and3A_32 = vector.broadcast %and3A_31 : i32 to vector<3x4096xi32>
    %and3A_33 = arith.andi %add3A_30, %and3A_32 : vector<3x4096xi32>
    %bitcast_convert_type3A_34 = tpu.bitcast %and3A_33 : vector<3x4096xi32> -> vector<3x4096xf32>
    %slice3A = vector.extract_strided_slice %get3A_3 {offsets = [0, 0], sizes = [512, 1], strides = [1, 1]} : vector<512x3xf32> to vector<512x1xf32>
    %slice3A_35 = vector.extract_strided_slice %get3A_3 {offsets = [0, 1], sizes = [512, 1], strides = [1, 1]} : vector<512x3xf32> to vector<512x1xf32>
    %slice3A_36 = vector.extract_strided_slice %get3A_3 {offsets = [0, 2], sizes = [512, 1], strides = [1, 1]} : vector<512x3xf32> to vector<512x1xf32>
    %slice3A_37 = vector.extract_strided_slice %get3A_8 {offsets = [0, 0], sizes = [1, 4096], strides = [1, 1]} : vector<3x4096xf32> to vector<1x4096xf32>
    %slice3A_38 = vector.extract_strided_slice %get3A_8 {offsets = [1, 0], sizes = [1, 4096], strides = [1, 1]} : vector<3x4096xf32> to vector<1x4096xf32>
    %slice3A_39 = vector.extract_strided_slice %get3A_8 {offsets = [2, 0], sizes = [1, 4096], strides = [1, 1]} : vector<3x4096xf32> to vector<1x4096xf32>
    %slice3A_40 = vector.extract_strided_slice %bitcast_convert_type3A_19 {offsets = [0, 0], sizes = [512, 1], strides = [1, 1]} : vector<512x3xf32> to vector<512x1xf32>
    %slice3A_41 = vector.extract_strided_slice %bitcast_convert_type3A_19 {offsets = [0, 1], sizes = [512, 1], strides = [1, 1]} : vector<512x3xf32> to vector<512x1xf32>
    %slice3A_42 = vector.extract_strided_slice %bitcast_convert_type3A_19 {offsets = [0, 2], sizes = [512, 1], strides = [1, 1]} : vector<512x3xf32> to vector<512x1xf32>
    %slice3A_43 = vector.extract_strided_slice %bitcast_convert_type3A_34 {offsets = [0, 0], sizes = [1, 4096], strides = [1, 1]} : vector<3x4096xf32> to vector<1x4096xf32>
    %slice3A_44 = vector.extract_strided_slice %bitcast_convert_type3A_34 {offsets = [1, 0], sizes = [1, 4096], strides = [1, 1]} : vector<3x4096xf32> to vector<1x4096xf32>
    %slice3A_45 = vector.extract_strided_slice %bitcast_convert_type3A_34 {offsets = [2, 0], sizes = [1, 4096], strides = [1, 1]} : vector<3x4096xf32> to vector<1x4096xf32>
    %mul3A = arith.mulf %slice3A, %slice3A : vector<512x1xf32>
    %mul3A_46 = arith.mulf %slice3A_35, %slice3A_35 : vector<512x1xf32>
    %add3A_47 = arith.addf %mul3A, %mul3A_46 : vector<512x1xf32>
    %mul3A_48 = arith.mulf %slice3A_36, %slice3A_36 : vector<512x1xf32>
    %add3A_49 = arith.addf %add3A_47, %mul3A_48 : vector<512x1xf32>
    %mul3A_50 = arith.mulf %slice3A_37, %slice3A_37 : vector<1x4096xf32>
    %mul3A_51 = arith.mulf %slice3A_38, %slice3A_38 : vector<1x4096xf32>
    %add3A_52 = arith.addf %mul3A_50, %mul3A_51 : vector<1x4096xf32>
    %mul3A_53 = arith.mulf %slice3A_39, %slice3A_39 : vector<1x4096xf32>
    %add3A_54 = arith.addf %add3A_52, %mul3A_53 : vector<1x4096xf32>
    %mul3A_55 = vector.broadcast %slice3A_40 : vector<512x1xf32> to vector<512x4096xf32>
    %mul3A_56 = vector.broadcast %slice3A_43 : vector<1x4096xf32> to vector<512x4096xf32>
    %mul3A_57 = arith.mulf %mul3A_55, %mul3A_56 : vector<512x4096xf32>
    %mul3A_58 = vector.broadcast %slice3A_41 : vector<512x1xf32> to vector<512x4096xf32>
    %mul3A_59 = vector.broadcast %slice3A_44 : vector<1x4096xf32> to vector<512x4096xf32>
    %mul3A_60 = arith.mulf %mul3A_58, %mul3A_59 : vector<512x4096xf32>
    %add3A_61 = arith.addf %mul3A_57, %mul3A_60 : vector<512x4096xf32>
    %mul3A_62 = vector.broadcast %slice3A_42 : vector<512x1xf32> to vector<512x4096xf32>
    %mul3A_63 = vector.broadcast %slice3A_45 : vector<1x4096xf32> to vector<512x4096xf32>
    %mul3A_64 = arith.mulf %mul3A_62, %mul3A_63 : vector<512x4096xf32>
    %add3A_65 = arith.addf %add3A_61, %mul3A_64 : vector<512x4096xf32>
    %add3A_66 = vector.broadcast %add3A_49 : vector<512x1xf32> to vector<512x4096xf32>
    %add3A_67 = vector.broadcast %add3A_54 : vector<1x4096xf32> to vector<512x4096xf32>
    %add3A_68 = arith.addf %add3A_66, %add3A_67 : vector<512x4096xf32>
    %mul3A_69 = arith.constant 2.000000e+00 : f32
    %mul3A_70 = vector.broadcast %mul3A_69 : f32 to vector<512x4096xf32>
    %mul3A_71 = arith.mulf %mul3A_70, %add3A_65 : vector<512x4096xf32>
    %sub3A = arith.subf %add3A_68, %mul3A_71 : vector<512x4096xf32>
    %iota3A = tpu.iota {dimensions = array<i32: 1>} : vector<512x4096xi32>
    %argmin3A = tpu.reduce_index %sub3A {axis = 1 : i32, kind = #tpu.reduction_kind<arg_min>} : vector<512x4096xf32> -> vector<512xi32>
    %broadcast_in_dim3A = vector.shape_cast %argmin3A : vector<512xi32> to vector<512x1xi32>
    %eq3A = vector.broadcast %broadcast_in_dim3A : vector<512x1xi32> to vector<512x4096xi32>
    %eq3A_72 = arith.cmpi eq, %iota3A, %eq3A : vector<512x4096xi32>
    %jit3A = arith.constant 0x7F800000 : f32
    %broadcast_in_dim3A_73 = vector.broadcast %jit3A : f32 to vector<512x4096xf32>
    %select_n3A = arith.select %eq3A_72, %broadcast_in_dim3A_73, %sub3A : vector<512x4096xi1>, vector<512x4096xf32>
    %argmin3A_74 = tpu.reduce_index %select_n3A {axis = 1 : i32, kind = #tpu.reduction_kind<arg_min>} : vector<512x4096xf32> -> vector<512xi32>
    %broadcast_in_dim3A_75 = vector.shape_cast %argmin3A_74 : vector<512xi32> to vector<512x1xi32>
    %eq3A_76 = vector.broadcast %broadcast_in_dim3A_75 : vector<512x1xi32> to vector<512x4096xi32>
    %eq3A_77 = arith.cmpi eq, %iota3A, %eq3A_76 : vector<512x4096xi32>
    %jit3A_78 = arith.constant 0x7F800000 : f32
    %broadcast_in_dim3A_79 = vector.broadcast %jit3A_78 : f32 to vector<512x4096xf32>
    %select_n3A_80 = arith.select %eq3A_77, %broadcast_in_dim3A_79, %select_n3A : vector<512x4096xi1>, vector<512x4096xf32>
    %argmin3A_81 = tpu.reduce_index %select_n3A_80 {axis = 1 : i32, kind = #tpu.reduction_kind<arg_min>} : vector<512x4096xf32> -> vector<512xi32>
    %broadcast_in_dim3A_82 = vector.shape_cast %argmin3A_81 : vector<512xi32> to vector<512x1xi32>
    %eq3A_83 = vector.broadcast %broadcast_in_dim3A_82 : vector<512x1xi32> to vector<512x4096xi32>
    %eq3A_84 = arith.cmpi eq, %iota3A, %eq3A_83 : vector<512x4096xi32>
    %jit3A_85 = arith.constant 0x7F800000 : f32
    %broadcast_in_dim3A_86 = vector.broadcast %jit3A_85 : f32 to vector<512x4096xf32>
    %select_n3A_87 = arith.select %eq3A_84, %broadcast_in_dim3A_86, %select_n3A_80 : vector<512x4096xi1>, vector<512x4096xf32>
    %argmin3A_88 = tpu.reduce_index %select_n3A_87 {axis = 1 : i32, kind = #tpu.reduction_kind<arg_min>} : vector<512x4096xf32> -> vector<512xi32>
    %broadcast_in_dim3A_89 = vector.shape_cast %argmin3A_88 : vector<512xi32> to vector<512x1xi32>
    %eq3A_90 = vector.broadcast %broadcast_in_dim3A_89 : vector<512x1xi32> to vector<512x4096xi32>
    %eq3A_91 = arith.cmpi eq, %iota3A, %eq3A_90 : vector<512x4096xi32>
    %jit3A_92 = arith.constant 0x7F800000 : f32
    %broadcast_in_dim3A_93 = vector.broadcast %jit3A_92 : f32 to vector<512x4096xf32>
    %select_n3A_94 = arith.select %eq3A_91, %broadcast_in_dim3A_93, %select_n3A_87 : vector<512x4096xi1>, vector<512x4096xf32>
    %argmin3A_95 = tpu.reduce_index %select_n3A_94 {axis = 1 : i32, kind = #tpu.reduction_kind<arg_min>} : vector<512x4096xf32> -> vector<512xi32>
    %broadcast_in_dim3A_96 = vector.shape_cast %argmin3A_95 : vector<512xi32> to vector<512x1xi32>
    %eq3A_97 = vector.broadcast %broadcast_in_dim3A_96 : vector<512x1xi32> to vector<512x4096xi32>
    %eq3A_98 = arith.cmpi eq, %iota3A, %eq3A_97 : vector<512x4096xi32>
    %jit3A_99 = arith.constant 0x7F800000 : f32
    %broadcast_in_dim3A_100 = vector.broadcast %jit3A_99 : f32 to vector<512x4096xf32>
    %select_n3A_101 = arith.select %eq3A_98, %broadcast_in_dim3A_100, %select_n3A_94 : vector<512x4096xi1>, vector<512x4096xf32>
    %argmin3A_102 = tpu.reduce_index %select_n3A_101 {axis = 1 : i32, kind = #tpu.reduction_kind<arg_min>} : vector<512x4096xf32> -> vector<512xi32>
    %broadcast_in_dim3A_103 = vector.shape_cast %argmin3A_102 : vector<512xi32> to vector<512x1xi32>
    %eq3A_104 = vector.broadcast %broadcast_in_dim3A_103 : vector<512x1xi32> to vector<512x4096xi32>
    %eq3A_105 = arith.cmpi eq, %iota3A, %eq3A_104 : vector<512x4096xi32>
    %jit3A_106 = arith.constant 0x7F800000 : f32
    %broadcast_in_dim3A_107 = vector.broadcast %jit3A_106 : f32 to vector<512x4096xf32>
    %select_n3A_108 = arith.select %eq3A_105, %broadcast_in_dim3A_107, %select_n3A_101 : vector<512x4096xi1>, vector<512x4096xf32>
    %argmin3A_109 = tpu.reduce_index %select_n3A_108 {axis = 1 : i32, kind = #tpu.reduction_kind<arg_min>} : vector<512x4096xf32> -> vector<512xi32>
    %broadcast_in_dim3A_110 = vector.shape_cast %argmin3A_109 : vector<512xi32> to vector<512x1xi32>
    %eq3A_111 = vector.broadcast %broadcast_in_dim3A_110 : vector<512x1xi32> to vector<512x4096xi32>
    %eq3A_112 = arith.cmpi eq, %iota3A, %eq3A_111 : vector<512x4096xi32>
    %jit3A_113 = arith.constant 0x7F800000 : f32
    %broadcast_in_dim3A_114 = vector.broadcast %jit3A_113 : f32 to vector<512x4096xf32>
    %select_n3A_115 = arith.select %eq3A_112, %broadcast_in_dim3A_114, %select_n3A_108 : vector<512x4096xi1>, vector<512x4096xf32>
    %argmin3A_116 = tpu.reduce_index %select_n3A_115 {axis = 1 : i32, kind = #tpu.reduction_kind<arg_min>} : vector<512x4096xf32> -> vector<512xi32>
    %broadcast_in_dim3A_117 = vector.shape_cast %argmin3A_116 : vector<512xi32> to vector<512x1xi32>
    %eq3A_118 = vector.broadcast %broadcast_in_dim3A_117 : vector<512x1xi32> to vector<512x4096xi32>
    %eq3A_119 = arith.cmpi eq, %iota3A, %eq3A_118 : vector<512x4096xi32>
    %jit3A_120 = arith.constant 0x7F800000 : f32
    %broadcast_in_dim3A_121 = vector.broadcast %jit3A_120 : f32 to vector<512x4096xf32>
    %select_n3A_122 = arith.select %eq3A_119, %broadcast_in_dim3A_121, %select_n3A_115 : vector<512x4096xi1>, vector<512x4096xf32>
    %argmin3A_123 = tpu.reduce_index %select_n3A_122 {axis = 1 : i32, kind = #tpu.reduction_kind<arg_min>} : vector<512x4096xf32> -> vector<512xi32>
    %broadcast_in_dim3A_124 = vector.shape_cast %argmin3A_123 : vector<512xi32> to vector<512x1xi32>
    %eq3A_125 = vector.broadcast %broadcast_in_dim3A_124 : vector<512x1xi32> to vector<512x4096xi32>
    %eq3A_126 = arith.cmpi eq, %iota3A, %eq3A_125 : vector<512x4096xi32>
    %jit3A_127 = arith.constant 0x7F800000 : f32
    %broadcast_in_dim3A_128 = vector.broadcast %jit3A_127 : f32 to vector<512x4096xf32>
    %select_n3A_129 = arith.select %eq3A_126, %broadcast_in_dim3A_128, %select_n3A_122 : vector<512x4096xi1>, vector<512x4096xf32>
    %argmin3A_130 = tpu.reduce_index %select_n3A_129 {axis = 1 : i32, kind = #tpu.reduction_kind<arg_min>} : vector<512x4096xf32> -> vector<512xi32>
    %broadcast_in_dim3A_131 = vector.shape_cast %argmin3A_130 : vector<512xi32> to vector<512x1xi32>
    %eq3A_132 = vector.broadcast %broadcast_in_dim3A_131 : vector<512x1xi32> to vector<512x4096xi32>
    %eq3A_133 = arith.cmpi eq, %iota3A, %eq3A_132 : vector<512x4096xi32>
    %jit3A_134 = arith.constant 0x7F800000 : f32
    %broadcast_in_dim3A_135 = vector.broadcast %jit3A_134 : f32 to vector<512x4096xf32>
    %select_n3A_136 = arith.select %eq3A_133, %broadcast_in_dim3A_135, %select_n3A_129 : vector<512x4096xi1>, vector<512x4096xf32>
    %argmin3A_137 = tpu.reduce_index %select_n3A_136 {axis = 1 : i32, kind = #tpu.reduction_kind<arg_min>} : vector<512x4096xf32> -> vector<512xi32>
    %broadcast_in_dim3A_138 = vector.shape_cast %argmin3A_137 : vector<512xi32> to vector<512x1xi32>
    %eq3A_139 = vector.broadcast %broadcast_in_dim3A_138 : vector<512x1xi32> to vector<512x4096xi32>
    %eq3A_140 = arith.cmpi eq, %iota3A, %eq3A_139 : vector<512x4096xi32>
    %jit3A_141 = arith.constant 0x7F800000 : f32
    %broadcast_in_dim3A_142 = vector.broadcast %jit3A_141 : f32 to vector<512x4096xf32>
    %select_n3A_143 = arith.select %eq3A_140, %broadcast_in_dim3A_142, %select_n3A_136 : vector<512x4096xi1>, vector<512x4096xf32>
    %argmin3A_144 = tpu.reduce_index %select_n3A_143 {axis = 1 : i32, kind = #tpu.reduction_kind<arg_min>} : vector<512x4096xf32> -> vector<512xi32>
    %broadcast_in_dim3A_145 = vector.shape_cast %argmin3A_144 : vector<512xi32> to vector<512x1xi32>
    %eq3A_146 = vector.broadcast %broadcast_in_dim3A_145 : vector<512x1xi32> to vector<512x4096xi32>
    %eq3A_147 = arith.cmpi eq, %iota3A, %eq3A_146 : vector<512x4096xi32>
    %jit3A_148 = arith.constant 0x7F800000 : f32
    %broadcast_in_dim3A_149 = vector.broadcast %jit3A_148 : f32 to vector<512x4096xf32>
    %select_n3A_150 = arith.select %eq3A_147, %broadcast_in_dim3A_149, %select_n3A_143 : vector<512x4096xi1>, vector<512x4096xf32>
    %argmin3A_151 = tpu.reduce_index %select_n3A_150 {axis = 1 : i32, kind = #tpu.reduction_kind<arg_min>} : vector<512x4096xf32> -> vector<512xi32>
    %broadcast_in_dim3A_152 = vector.shape_cast %argmin3A_151 : vector<512xi32> to vector<512x1xi32>
    %eq3A_153 = vector.broadcast %broadcast_in_dim3A_152 : vector<512x1xi32> to vector<512x4096xi32>
    %eq3A_154 = arith.cmpi eq, %iota3A, %eq3A_153 : vector<512x4096xi32>
    %jit3A_155 = arith.constant 0x7F800000 : f32
    %broadcast_in_dim3A_156 = vector.broadcast %jit3A_155 : f32 to vector<512x4096xf32>
    %select_n3A_157 = arith.select %eq3A_154, %broadcast_in_dim3A_156, %select_n3A_150 : vector<512x4096xi1>, vector<512x4096xf32>
    %argmin3A_158 = tpu.reduce_index %select_n3A_157 {axis = 1 : i32, kind = #tpu.reduction_kind<arg_min>} : vector<512x4096xf32> -> vector<512xi32>
    %broadcast_in_dim3A_159 = vector.shape_cast %argmin3A_158 : vector<512xi32> to vector<512x1xi32>
    %eq3A_160 = vector.broadcast %broadcast_in_dim3A_159 : vector<512x1xi32> to vector<512x4096xi32>
    %eq3A_161 = arith.cmpi eq, %iota3A, %eq3A_160 : vector<512x4096xi32>
    %jit3A_162 = arith.constant 0x7F800000 : f32
    %broadcast_in_dim3A_163 = vector.broadcast %jit3A_162 : f32 to vector<512x4096xf32>
    %select_n3A_164 = arith.select %eq3A_161, %broadcast_in_dim3A_163, %select_n3A_157 : vector<512x4096xi1>, vector<512x4096xf32>
    %argmin3A_165 = tpu.reduce_index %select_n3A_164 {axis = 1 : i32, kind = #tpu.reduction_kind<arg_min>} : vector<512x4096xf32> -> vector<512xi32>
    %broadcast_in_dim3A_166 = vector.shape_cast %argmin3A_165 : vector<512xi32> to vector<512x1xi32>
    %eq3A_167 = vector.broadcast %broadcast_in_dim3A_166 : vector<512x1xi32> to vector<512x4096xi32>
    %eq3A_168 = arith.cmpi eq, %iota3A, %eq3A_167 : vector<512x4096xi32>
    %jit3A_169 = arith.constant 0x7F800000 : f32
    %broadcast_in_dim3A_170 = vector.broadcast %jit3A_169 : f32 to vector<512x4096xf32>
    %select_n3A_171 = arith.select %eq3A_168, %broadcast_in_dim3A_170, %select_n3A_164 : vector<512x4096xi1>, vector<512x4096xf32>
    %argmin3A_172 = tpu.reduce_index %select_n3A_171 {axis = 1 : i32, kind = #tpu.reduction_kind<arg_min>} : vector<512x4096xf32> -> vector<512xi32>
    %broadcast_in_dim3A_173 = vector.shape_cast %argmin3A_172 : vector<512xi32> to vector<512x1xi32>
    %concatenate3A = tpu.concatenate %broadcast_in_dim3A, %broadcast_in_dim3A_75, %broadcast_in_dim3A_82, %broadcast_in_dim3A_89, %broadcast_in_dim3A_96, %broadcast_in_dim3A_103, %broadcast_in_dim3A_110, %broadcast_in_dim3A_117, %broadcast_in_dim3A_124, %broadcast_in_dim3A_131, %broadcast_in_dim3A_138, %broadcast_in_dim3A_145, %broadcast_in_dim3A_152, %broadcast_in_dim3A_159, %broadcast_in_dim3A_166, %broadcast_in_dim3A_173 in 1 : vector<512x1xi32>, vector<512x1xi32>, vector<512x1xi32>, vector<512x1xi32>, vector<512x1xi32>, vector<512x1xi32>, vector<512x1xi32>, vector<512x1xi32>, vector<512x1xi32>, vector<512x1xi32>, vector<512x1xi32>, vector<512x1xi32>, vector<512x1xi32>, vector<512x1xi32>, vector<512x1xi32>, vector<512x1xi32> -> vector<512x16xi32>
    %mul3A_174 = arith.constant 4096 : i32
    %mul3A_175 = arith.muli %arg0, %mul3A_174 : i32
    %add3A_176 = vector.broadcast %mul3A_175 : i32 to vector<512x16xi32>
    %add3A_177 = arith.addi %concatenate3A, %add3A_176 : vector<512x16xi32>
    %swap3A = arith.constant 0 : index
    %swap3A_178 = arith.constant 0 : index
    %swap3A_179 = arith.constant 0 : index
    %swap3A_180 = vector.load %arg6[%swap3A, %swap3A_178, %swap3A_179] : memref<1x512x16xi32, #tpu.memory_space<vmem>>, vector<1x512x16xi32>
    %swap3A_181 = vector.shape_cast %swap3A_180 : vector<1x512x16xi32> to vector<512x16xi32>
    %swap3A_182 = vector.shape_cast %add3A_177 : vector<512x16xi32> to vector<1x512x16xi32>
    tpu.vector_store %arg6[%swap3A, %swap3A_178, %swap3A_179], %swap3A_182 {strides = array<i32>} : memref<1x512x16xi32, #tpu.memory_space<vmem>>, vector<1x512x16xi32>,
    %get3A_183 = arith.constant 0 : index
    %get3A_184 = arith.constant 0 : index
    %get3A_185 = arith.constant 0 : index
    %get3A_186 = vector.load %arg4[%get3A_183, %get3A_184, %get3A_185] : memref<1x512x64xf32, #tpu.memory_space<vmem>>, vector<1x512x64xf32>
    %get3A_187 = vector.shape_cast %get3A_186 : vector<1x512x64xf32> to vector<512x64xf32>
    %get3A_188 = arith.constant 0 : index
    %get3A_189 = arith.constant 0 : index
    %get3A_190 = vector.load %arg5[%get3A_188, %get3A_189] : memref<64x64xf32, #tpu.memory_space<vmem>>, vector<64x64xf32>
    %dot_general3A = arith.constant dense<0.000000e+00> : vector<512x64xf32>
    %dot_general3A_191 = tpu.matmul %get3A_187, %get3A_190, %dot_general3A {dimension_numbers = #tpu.dot_dimension_numbers<[1], [0], [0], [1], [0, 0, 1, 1], [], []>, transpose_lhs_hint = false} : vector<512x64xf32>, vector<64x64xf32>, vector<512x64xf32> -> vector<512x64xf32>
    %swap3A_192 = arith.constant 0 : index
    %swap3A_193 = arith.constant 0 : index
    %swap3A_194 = arith.constant 0 : index
    %swap3A_195 = vector.load %arg7[%swap3A_192, %swap3A_193, %swap3A_194] : memref<1x512x64xf32, #tpu.memory_space<vmem>>, vector<1x512x64xf32>
    %swap3A_196 = vector.shape_cast %swap3A_195 : vector<1x512x64xf32> to vector<512x64xf32>
    %swap3A_197 = vector.shape_cast %dot_general3A_191 : vector<512x64xf32> to vector<1x512x64xf32>
    tpu.vector_store %arg7[%swap3A_192, %swap3A_193, %swap3A_194], %swap3A_197 {strides = array<i32>} : memref<1x512x64xf32, #tpu.memory_space<vmem>>, vector<1x512x64xf32>,
    return
  }
  func.func @transform_0(%arg0: i32, %arg1: i32) -> (i32, i32, i32) {
    %c0_i32 = arith.constant 0 : i32
    %c0_i32_0 = arith.constant 0 : i32
    return %arg0, %arg1, %c0_i32 : i32, i32, i32
  }
  func.func @transform_1(%arg0: i32, %arg1: i32) -> (i32, i32, i32) {
    %c0_i32 = arith.constant 0 : i32
    %c0_i32_0 = arith.constant 0 : i32
    %c0_i32_1 = arith.constant 0 : i32
    return %arg0, %c0_i32, %c0_i32_0 : i32, i32, i32
  }
  func.func @transform_2(%arg0: i32, %arg1: i32) -> (i32, i32, i32) {
    %c0_i32 = arith.constant 0 : i32
    %c0_i32_0 = arith.constant 0 : i32
    return %arg0, %arg1, %c0_i32 : i32, i32, i32
  }
  func.func @transform_3(%arg0: i32, %arg1: i32) -> (i32, i32) {
    %c0_i32 = arith.constant 0 : i32
    %c0_i32_0 = arith.constant 0 : i32
    %c0_i32_1 = arith.constant 0 : i32
    return %c0_i32, %c0_i32_0 : i32, i32
  }
  func.func @transform_4(%arg0: i32, %arg1: i32) -> (i32, i32, i32) {
    %c0_i32 = arith.constant 0 : i32
    %c0_i32_0 = arith.constant 0 : i32
    return %arg0, %arg1, %c0_i32 : i32, i32, i32
  }
  func.func @transform_5(%arg0: i32, %arg1: i32) -> (i32, i32, i32) {
    %c0_i32 = arith.constant 0 : i32
    %c0_i32_0 = arith.constant 0 : i32
    return %arg0, %arg1, %c0_i32 : i32, i32, i32
  }
}

module attributes {stable_mosaic.version = 14 : i64} {
  func.func @_mlp_body(%arg0: i32, %arg1: i32, %arg2: memref<1x1024x128xf32, #tpu.memory_space<vmem>>, %arg3: memref<1x128x64xf32, #tpu.memory_space<vmem>>, %arg4: memref<64x64xf32, #tpu.memory_space<vmem>>, %arg5: memref<1x64xf32, #tpu.memory_space<vmem>>, %arg6: memref<128x128xf32, #tpu.memory_space<vmem>>, %arg7: memref<1x128xf32, #tpu.memory_space<vmem>>, %arg8: memref<1x128xf32, #tpu.memory_space<vmem>>, %arg9: memref<128x128xf32, #tpu.memory_space<vmem>>, %arg10: memref<1x128xf32, #tpu.memory_space<vmem>>, %arg11: memref<1x128xf32, #tpu.memory_space<vmem>>, %arg12: memref<1x128xf32, #tpu.memory_space<vmem>>, %arg13: memref<128x128xf32, #tpu.memory_space<vmem>>, %arg14: memref<1x128xf32, #tpu.memory_space<vmem>>, %arg15: memref<1x128xf32, #tpu.memory_space<vmem>>, %arg16: memref<1x128xf32, #tpu.memory_space<vmem>>, %arg17: memref<1x128x64xf32, #tpu.memory_space<vmem>>) attributes {dimension_semantics = [#tpu.dimension_semantics<arbitrary>, #tpu.dimension_semantics<arbitrary>], iteration_bounds = array<i64: 1, 32>, scalar_prefetch = 0 : i64, scratch_operands = 0 : i64, tpu.core_type = #tpu.core_type<tc>, window_params = [{transform_indices = @transform_0, window_bounds = array<i64: 1, 1024, 128>}, {transform_indices = @transform_1, window_bounds = array<i64: 1, 128, 64>}, {pipeline_mode = #tpu.pipeline_mode<synchronous>, transform_indices = @transform_2, window_bounds = array<i64: 64, 64>}, {pipeline_mode = #tpu.pipeline_mode<synchronous>, transform_indices = @transform_3, window_bounds = array<i64: 1, 64>}, {pipeline_mode = #tpu.pipeline_mode<synchronous>, transform_indices = @transform_4, window_bounds = array<i64: 128, 128>}, {pipeline_mode = #tpu.pipeline_mode<synchronous>, transform_indices = @transform_5, window_bounds = array<i64: 1, 128>}, {pipeline_mode = #tpu.pipeline_mode<synchronous>, transform_indices = @transform_6, window_bounds = array<i64: 1, 128>}, {pipeline_mode = #tpu.pipeline_mode<synchronous>, transform_indices = @transform_7, window_bounds = array<i64: 128, 128>}, {pipeline_mode = #tpu.pipeline_mode<synchronous>, transform_indices = @transform_8, window_bounds = array<i64: 1, 128>}, {pipeline_mode = #tpu.pipeline_mode<synchronous>, transform_indices = @transform_9, window_bounds = array<i64: 1, 128>}, {pipeline_mode = #tpu.pipeline_mode<synchronous>, transform_indices = @transform_10, window_bounds = array<i64: 1, 128>}, {pipeline_mode = #tpu.pipeline_mode<synchronous>, transform_indices = @transform_11, window_bounds = array<i64: 128, 128>}, {pipeline_mode = #tpu.pipeline_mode<synchronous>, transform_indices = @transform_12, window_bounds = array<i64: 1, 128>}, {pipeline_mode = #tpu.pipeline_mode<synchronous>, transform_indices = @transform_13, window_bounds = array<i64: 1, 128>}, {pipeline_mode = #tpu.pipeline_mode<synchronous>, transform_indices = @transform_14, window_bounds = array<i64: 1, 128>}, {transform_indices = @transform_15, window_bounds = array<i64: 1, 128, 64>}]} {
    %get3A = arith.constant 0 : index
    %get3A_0 = arith.constant 0 : index
    %get3A_1 = arith.constant 0 : index
    %get3A_2 = vector.load %arg3[%get3A, %get3A_0, %get3A_1] : memref<1x128x64xf32, #tpu.memory_space<vmem>>, vector<1x128x64xf32>
    %get3A_3 = vector.shape_cast %get3A_2 : vector<1x128x64xf32> to vector<128x64xf32>
    %get3A_4 = arith.constant 0 : index
    %get3A_5 = arith.constant 0 : index
    %get3A_6 = vector.load %arg4[%get3A_4, %get3A_5] : memref<64x64xf32, #tpu.memory_space<vmem>>, vector<64x64xf32>
    %dot_general3A = arith.constant dense<0.000000e+00> : vector<128x64xf32>
    %dot_general3A_7 = tpu.matmul %get3A_3, %get3A_6, %dot_general3A {dimension_numbers = #tpu.dot_dimension_numbers<[1], [0], [0], [1], [0, 0, 1, 1], [], []>, transpose_lhs_hint = false} : vector<128x64xf32>, vector<64x64xf32>, vector<128x64xf32> -> vector<128x64xf32>
    %get3A_8 = arith.constant 0 : index
    %get3A_9 = arith.constant 0 : index
    %get3A_10 = vector.load %arg5[%get3A_8, %get3A_9] : memref<1x64xf32, #tpu.memory_space<vmem>>, vector<1x64xf32>
    %add3A = vector.broadcast %get3A_10 : vector<1x64xf32> to vector<128x64xf32>
    %add3A_11 = arith.addf %dot_general3A_7, %add3A : vector<128x64xf32>
    %concatenate3A = tpu.concatenate %add3A_11, %add3A_11 in 1 : vector<128x64xf32>, vector<128x64xf32> -> vector<128x128xf32>
    %get3A_12 = arith.constant 0 : index
    %get3A_13 = arith.constant 0 : index
    %get3A_14 = arith.constant 0 : index
    %get3A_15 = vector.load %arg2[%get3A_12, %get3A_13, %get3A_14] : memref<1x1024x128xf32, #tpu.memory_space<vmem>>, vector<1x1024x128xf32>
    %get3A_16 = vector.shape_cast %get3A_15 : vector<1x1024x128xf32> to vector<1024x128xf32>
    %broadcast_in_dim3A = vector.shape_cast %concatenate3A : vector<128x128xf32> to vector<128x1x128xf32>
    %broadcast_in_dim3A_17 = vector.shape_cast %broadcast_in_dim3A : vector<128x1x128xf32> to vector<128x1x128xf32>
    %broadcast_in_dim3A_18 = vector.broadcast %broadcast_in_dim3A_17 : vector<128x1x128xf32> to vector<128x8x128xf32>
    %reshape3A = vector.shape_cast %broadcast_in_dim3A_18 : vector<128x8x128xf32> to vector<1024x128xf32>
    %add3A_19 = arith.addf %get3A_16, %reshape3A : vector<1024x128xf32>
    %get3A_20 = arith.constant 0 : index
    %get3A_21 = arith.constant 0 : index
    %get3A_22 = vector.load %arg7[%get3A_20, %get3A_21] : memref<1x128xf32, #tpu.memory_space<vmem>>, vector<1x128xf32>
    %get3A_23 = arith.constant 0 : index
    %get3A_24 = arith.constant 0 : index
    %get3A_25 = vector.load %arg8[%get3A_23, %get3A_24] : memref<1x128xf32, #tpu.memory_space<vmem>>, vector<1x128xf32>
    %get3A_26 = arith.constant 0 : index
    %get3A_27 = arith.constant 0 : index
    %get3A_28 = vector.load %arg6[%get3A_26, %get3A_27] : memref<128x128xf32, #tpu.memory_space<vmem>>, vector<128x128xf32>
    %dot_general3A_29 = arith.constant dense<0.000000e+00> : vector<1024x128xf32>
    %dot_general3A_30 = tpu.matmul %add3A_19, %get3A_28, %dot_general3A_29 {dimension_numbers = #tpu.dot_dimension_numbers<[1], [0], [0], [1], [0, 0, 1, 1], [], []>, transpose_lhs_hint = false} : vector<1024x128xf32>, vector<128x128xf32>, vector<1024x128xf32> -> vector<1024x128xf32>
    %mul3A = arith.mulf %add3A_19, %add3A_19 : vector<1024x128xf32>
    %get3A_31 = arith.constant 0 : index
    %get3A_32 = arith.constant 0 : index
    %get3A_33 = vector.load %arg6[%get3A_31, %get3A_32] : memref<128x128xf32, #tpu.memory_space<vmem>>, vector<128x128xf32>
    %dot_general3A_34 = arith.constant dense<0.000000e+00> : vector<1024x128xf32>
    %dot_general3A_35 = tpu.matmul %mul3A, %get3A_33, %dot_general3A_34 {dimension_numbers = #tpu.dot_dimension_numbers<[1], [0], [0], [1], [0, 0, 1, 1], [], []>, transpose_lhs_hint = false} : vector<1024x128xf32>, vector<128x128xf32>, vector<1024x128xf32> -> vector<1024x128xf32>
    %mul3A_36 = arith.mulf %dot_general3A_30, %dot_general3A_30 : vector<1024x128xf32>
    %sub3A = arith.subf %dot_general3A_35, %mul3A_36 : vector<1024x128xf32>
    %max3A = arith.constant 0.000000e+00 : f32
    %max3A_37 = vector.broadcast %max3A : f32 to vector<1024x128xf32>
    %max3A_38 = arith.maximumf %sub3A, %max3A_37 : vector<1024x128xf32>
    %add3A_39 = arith.constant 9.99999974E-6 : f32
    %add3A_40 = vector.broadcast %add3A_39 : f32 to vector<1024x128xf32>
    %add3A_41 = arith.addf %max3A_38, %add3A_40 : vector<1024x128xf32>
    %rsqrt3A = math.rsqrt %add3A_41 : vector<1024x128xf32>
    %sub3A_42 = arith.subf %add3A_19, %dot_general3A_30 : vector<1024x128xf32>
    %mul3A_43 = arith.mulf %sub3A_42, %rsqrt3A : vector<1024x128xf32>
    %mul3A_44 = vector.broadcast %get3A_22 : vector<1x128xf32> to vector<1024x128xf32>
    %mul3A_45 = arith.mulf %mul3A_43, %mul3A_44 : vector<1024x128xf32>
    %add3A_46 = vector.broadcast %get3A_25 : vector<1x128xf32> to vector<1024x128xf32>
    %add3A_47 = arith.addf %mul3A_45, %add3A_46 : vector<1024x128xf32>
    %mul3A_48 = arith.constant 5.000000e-01 : f32
    %mul3A_49 = vector.broadcast %mul3A_48 : f32 to vector<1024x128xf32>
    %mul3A_50 = arith.mulf %add3A_47, %mul3A_49 : vector<1024x128xf32>
    %mul3A_51 = arith.constant 0.707106769 : f32
    %mul3A_52 = vector.broadcast %mul3A_51 : f32 to vector<1024x128xf32>
    %mul3A_53 = arith.mulf %add3A_47, %mul3A_52 : vector<1024x128xf32>
    %erf3A = math.erf %mul3A_53 : vector<1024x128xf32>
    %add3A_54 = arith.constant 1.000000e+00 : f32
    %add3A_55 = vector.broadcast %add3A_54 : f32 to vector<1024x128xf32>
    %add3A_56 = arith.addf %add3A_55, %erf3A : vector<1024x128xf32>
    %mul3A_57 = arith.mulf %mul3A_50, %add3A_56 : vector<1024x128xf32>
    %get3A_58 = arith.constant 0 : index
    %get3A_59 = arith.constant 0 : index
    %get3A_60 = vector.load %arg9[%get3A_58, %get3A_59] : memref<128x128xf32, #tpu.memory_space<vmem>>, vector<128x128xf32>
    %dot_general3A_61 = arith.constant dense<0.000000e+00> : vector<1024x128xf32>
    %dot_general3A_62 = tpu.matmul %mul3A_57, %get3A_60, %dot_general3A_61 {dimension_numbers = #tpu.dot_dimension_numbers<[1], [0], [0], [1], [0, 0, 1, 1], [], []>, transpose_lhs_hint = false} : vector<1024x128xf32>, vector<128x128xf32>, vector<1024x128xf32> -> vector<1024x128xf32>
    %get3A_63 = arith.constant 0 : index
    %get3A_64 = arith.constant 0 : index
    %get3A_65 = vector.load %arg10[%get3A_63, %get3A_64] : memref<1x128xf32, #tpu.memory_space<vmem>>, vector<1x128xf32>
    %add3A_66 = vector.broadcast %get3A_65 : vector<1x128xf32> to vector<1024x128xf32>
    %add3A_67 = arith.addf %dot_general3A_62, %add3A_66 : vector<1024x128xf32>
    %get3A_68 = arith.constant 0 : index
    %get3A_69 = arith.constant 0 : index
    %get3A_70 = vector.load %arg11[%get3A_68, %get3A_69] : memref<1x128xf32, #tpu.memory_space<vmem>>, vector<1x128xf32>
    %get3A_71 = arith.constant 0 : index
    %get3A_72 = arith.constant 0 : index
    %get3A_73 = vector.load %arg12[%get3A_71, %get3A_72] : memref<1x128xf32, #tpu.memory_space<vmem>>, vector<1x128xf32>
    %get3A_74 = arith.constant 0 : index
    %get3A_75 = arith.constant 0 : index
    %get3A_76 = vector.load %arg6[%get3A_74, %get3A_75] : memref<128x128xf32, #tpu.memory_space<vmem>>, vector<128x128xf32>
    %dot_general3A_77 = arith.constant dense<0.000000e+00> : vector<1024x128xf32>
    %dot_general3A_78 = tpu.matmul %add3A_67, %get3A_76, %dot_general3A_77 {dimension_numbers = #tpu.dot_dimension_numbers<[1], [0], [0], [1], [0, 0, 1, 1], [], []>, transpose_lhs_hint = false} : vector<1024x128xf32>, vector<128x128xf32>, vector<1024x128xf32> -> vector<1024x128xf32>
    %mul3A_79 = arith.mulf %add3A_67, %add3A_67 : vector<1024x128xf32>
    %get3A_80 = arith.constant 0 : index
    %get3A_81 = arith.constant 0 : index
    %get3A_82 = vector.load %arg6[%get3A_80, %get3A_81] : memref<128x128xf32, #tpu.memory_space<vmem>>, vector<128x128xf32>
    %dot_general3A_83 = arith.constant dense<0.000000e+00> : vector<1024x128xf32>
    %dot_general3A_84 = tpu.matmul %mul3A_79, %get3A_82, %dot_general3A_83 {dimension_numbers = #tpu.dot_dimension_numbers<[1], [0], [0], [1], [0, 0, 1, 1], [], []>, transpose_lhs_hint = false} : vector<1024x128xf32>, vector<128x128xf32>, vector<1024x128xf32> -> vector<1024x128xf32>
    %mul3A_85 = arith.mulf %dot_general3A_78, %dot_general3A_78 : vector<1024x128xf32>
    %sub3A_86 = arith.subf %dot_general3A_84, %mul3A_85 : vector<1024x128xf32>
    %max3A_87 = arith.constant 0.000000e+00 : f32
    %max3A_88 = vector.broadcast %max3A_87 : f32 to vector<1024x128xf32>
    %max3A_89 = arith.maximumf %sub3A_86, %max3A_88 : vector<1024x128xf32>
    %add3A_90 = arith.constant 9.99999974E-6 : f32
    %add3A_91 = vector.broadcast %add3A_90 : f32 to vector<1024x128xf32>
    %add3A_92 = arith.addf %max3A_89, %add3A_91 : vector<1024x128xf32>
    %rsqrt3A_93 = math.rsqrt %add3A_92 : vector<1024x128xf32>
    %sub3A_94 = arith.subf %add3A_67, %dot_general3A_78 : vector<1024x128xf32>
    %mul3A_95 = arith.mulf %sub3A_94, %rsqrt3A_93 : vector<1024x128xf32>
    %mul3A_96 = vector.broadcast %get3A_70 : vector<1x128xf32> to vector<1024x128xf32>
    %mul3A_97 = arith.mulf %mul3A_95, %mul3A_96 : vector<1024x128xf32>
    %add3A_98 = vector.broadcast %get3A_73 : vector<1x128xf32> to vector<1024x128xf32>
    %add3A_99 = arith.addf %mul3A_97, %add3A_98 : vector<1024x128xf32>
    %mul3A_100 = arith.constant 5.000000e-01 : f32
    %mul3A_101 = vector.broadcast %mul3A_100 : f32 to vector<1024x128xf32>
    %mul3A_102 = arith.mulf %add3A_99, %mul3A_101 : vector<1024x128xf32>
    %mul3A_103 = arith.constant 0.707106769 : f32
    %mul3A_104 = vector.broadcast %mul3A_103 : f32 to vector<1024x128xf32>
    %mul3A_105 = arith.mulf %add3A_99, %mul3A_104 : vector<1024x128xf32>
    %erf3A_106 = math.erf %mul3A_105 : vector<1024x128xf32>
    %add3A_107 = arith.constant 1.000000e+00 : f32
    %add3A_108 = vector.broadcast %add3A_107 : f32 to vector<1024x128xf32>
    %add3A_109 = arith.addf %add3A_108, %erf3A_106 : vector<1024x128xf32>
    %mul3A_110 = arith.mulf %mul3A_102, %add3A_109 : vector<1024x128xf32>
    %get3A_111 = arith.constant 0 : index
    %get3A_112 = arith.constant 0 : index
    %get3A_113 = vector.load %arg13[%get3A_111, %get3A_112] : memref<128x128xf32, #tpu.memory_space<vmem>>, vector<128x128xf32>
    %dot_general3A_114 = arith.constant dense<0.000000e+00> : vector<1024x128xf32>
    %dot_general3A_115 = tpu.matmul %mul3A_110, %get3A_113, %dot_general3A_114 {dimension_numbers = #tpu.dot_dimension_numbers<[1], [0], [0], [1], [0, 0, 1, 1], [], []>, transpose_lhs_hint = false} : vector<1024x128xf32>, vector<128x128xf32>, vector<1024x128xf32> -> vector<1024x128xf32>
    %get3A_116 = arith.constant 0 : index
    %get3A_117 = arith.constant 0 : index
    %get3A_118 = vector.load %arg14[%get3A_116, %get3A_117] : memref<1x128xf32, #tpu.memory_space<vmem>>, vector<1x128xf32>
    %add3A_119 = vector.broadcast %get3A_118 : vector<1x128xf32> to vector<1024x128xf32>
    %add3A_120 = arith.addf %dot_general3A_115, %add3A_119 : vector<1024x128xf32>
    %get3A_121 = arith.constant 0 : index
    %get3A_122 = arith.constant 0 : index
    %get3A_123 = vector.load %arg15[%get3A_121, %get3A_122] : memref<1x128xf32, #tpu.memory_space<vmem>>, vector<1x128xf32>
    %get3A_124 = arith.constant 0 : index
    %get3A_125 = arith.constant 0 : index
    %get3A_126 = vector.load %arg16[%get3A_124, %get3A_125] : memref<1x128xf32, #tpu.memory_space<vmem>>, vector<1x128xf32>
    %get3A_127 = arith.constant 0 : index
    %get3A_128 = arith.constant 0 : index
    %get3A_129 = vector.load %arg6[%get3A_127, %get3A_128] : memref<128x128xf32, #tpu.memory_space<vmem>>, vector<128x128xf32>
    %dot_general3A_130 = arith.constant dense<0.000000e+00> : vector<1024x128xf32>
    %dot_general3A_131 = tpu.matmul %add3A_120, %get3A_129, %dot_general3A_130 {dimension_numbers = #tpu.dot_dimension_numbers<[1], [0], [0], [1], [0, 0, 1, 1], [], []>, transpose_lhs_hint = false} : vector<1024x128xf32>, vector<128x128xf32>, vector<1024x128xf32> -> vector<1024x128xf32>
    %mul3A_132 = arith.mulf %add3A_120, %add3A_120 : vector<1024x128xf32>
    %get3A_133 = arith.constant 0 : index
    %get3A_134 = arith.constant 0 : index
    %get3A_135 = vector.load %arg6[%get3A_133, %get3A_134] : memref<128x128xf32, #tpu.memory_space<vmem>>, vector<128x128xf32>
    %dot_general3A_136 = arith.constant dense<0.000000e+00> : vector<1024x128xf32>
    %dot_general3A_137 = tpu.matmul %mul3A_132, %get3A_135, %dot_general3A_136 {dimension_numbers = #tpu.dot_dimension_numbers<[1], [0], [0], [1], [0, 0, 1, 1], [], []>, transpose_lhs_hint = false} : vector<1024x128xf32>, vector<128x128xf32>, vector<1024x128xf32> -> vector<1024x128xf32>
    %mul3A_138 = arith.mulf %dot_general3A_131, %dot_general3A_131 : vector<1024x128xf32>
    %sub3A_139 = arith.subf %dot_general3A_137, %mul3A_138 : vector<1024x128xf32>
    %max3A_140 = arith.constant 0.000000e+00 : f32
    %max3A_141 = vector.broadcast %max3A_140 : f32 to vector<1024x128xf32>
    %max3A_142 = arith.maximumf %sub3A_139, %max3A_141 : vector<1024x128xf32>
    %add3A_143 = arith.constant 9.99999974E-6 : f32
    %add3A_144 = vector.broadcast %add3A_143 : f32 to vector<1024x128xf32>
    %add3A_145 = arith.addf %max3A_142, %add3A_144 : vector<1024x128xf32>
    %rsqrt3A_146 = math.rsqrt %add3A_145 : vector<1024x128xf32>
    %sub3A_147 = arith.subf %add3A_120, %dot_general3A_131 : vector<1024x128xf32>
    %mul3A_148 = arith.mulf %sub3A_147, %rsqrt3A_146 : vector<1024x128xf32>
    %mul3A_149 = vector.broadcast %get3A_123 : vector<1x128xf32> to vector<1024x128xf32>
    %mul3A_150 = arith.mulf %mul3A_148, %mul3A_149 : vector<1024x128xf32>
    %add3A_151 = vector.broadcast %get3A_126 : vector<1x128xf32> to vector<1024x128xf32>
    %add3A_152 = arith.addf %mul3A_150, %add3A_151 : vector<1024x128xf32>
    %mul3A_153 = arith.constant 5.000000e-01 : f32
    %mul3A_154 = vector.broadcast %mul3A_153 : f32 to vector<1024x128xf32>
    %mul3A_155 = arith.mulf %add3A_152, %mul3A_154 : vector<1024x128xf32>
    %mul3A_156 = arith.constant 0.707106769 : f32
    %mul3A_157 = vector.broadcast %mul3A_156 : f32 to vector<1024x128xf32>
    %mul3A_158 = arith.mulf %add3A_152, %mul3A_157 : vector<1024x128xf32>
    %erf3A_159 = math.erf %mul3A_158 : vector<1024x128xf32>
    %add3A_160 = arith.constant 1.000000e+00 : f32
    %add3A_161 = vector.broadcast %add3A_160 : f32 to vector<1024x128xf32>
    %add3A_162 = arith.addf %add3A_161, %erf3A_159 : vector<1024x128xf32>
    %mul3A_163 = arith.mulf %mul3A_155, %add3A_162 : vector<1024x128xf32>
    %reshape3A_164 = vector.shape_cast %mul3A_163 : vector<1024x128xf32> to vector<128x8x128xf32>
    %reduce_max3A = arith.constant dense<0xFF800000> : vector<128x128xf32>
    %reduce_max3A_165 = vector.multi_reduction <maximumf>, %reshape3A_164, %reduce_max3A [1] : vector<128x8x128xf32> to vector<128x128xf32>
    %slice3A = vector.extract_strided_slice %reduce_max3A_165 {offsets = [0, 0], sizes = [128, 64], strides = [1, 1]} : vector<128x128xf32> to vector<128x64xf32>
    %slice3A_166 = vector.extract_strided_slice %reduce_max3A_165 {offsets = [0, 64], sizes = [128, 64], strides = [1, 1]} : vector<128x128xf32> to vector<128x64xf32>
    %max3A_167 = arith.maximumf %slice3A, %slice3A_166 : vector<128x64xf32>
    %add3A_168 = arith.addf %max3A_167, %get3A_3 : vector<128x64xf32>
    %mul3A_169 = arith.constant 5.000000e-01 : f32
    %mul3A_170 = vector.broadcast %mul3A_169 : f32 to vector<128x64xf32>
    %mul3A_171 = arith.mulf %add3A_168, %mul3A_170 : vector<128x64xf32>
    %mul3A_172 = arith.constant 0.707106769 : f32
    %mul3A_173 = vector.broadcast %mul3A_172 : f32 to vector<128x64xf32>
    %mul3A_174 = arith.mulf %add3A_168, %mul3A_173 : vector<128x64xf32>
    %erf3A_175 = math.erf %mul3A_174 : vector<128x64xf32>
    %add3A_176 = arith.constant 1.000000e+00 : f32
    %add3A_177 = vector.broadcast %add3A_176 : f32 to vector<128x64xf32>
    %add3A_178 = arith.addf %add3A_177, %erf3A_175 : vector<128x64xf32>
    %mul3A_179 = arith.mulf %mul3A_171, %add3A_178 : vector<128x64xf32>
    %swap3A = arith.constant 0 : index
    %swap3A_180 = arith.constant 0 : index
    %swap3A_181 = arith.constant 0 : index
    %swap3A_182 = vector.load %arg17[%swap3A, %swap3A_180, %swap3A_181] : memref<1x128x64xf32, #tpu.memory_space<vmem>>, vector<1x128x64xf32>
    %swap3A_183 = vector.shape_cast %swap3A_182 : vector<1x128x64xf32> to vector<128x64xf32>
    %swap3A_184 = vector.shape_cast %mul3A_179 : vector<128x64xf32> to vector<1x128x64xf32>
    tpu.vector_store %arg17[%swap3A, %swap3A_180, %swap3A_181], %swap3A_184 {strides = array<i32>} : memref<1x128x64xf32, #tpu.memory_space<vmem>>, vector<1x128x64xf32>,
    return
  }
  func.func @transform_0(%arg0: i32, %arg1: i32) -> (i32, i32, i32) {
    %c0_i32 = arith.constant 0 : i32
    %c0_i32_0 = arith.constant 0 : i32
    return %arg0, %arg1, %c0_i32 : i32, i32, i32
  }
  func.func @transform_1(%arg0: i32, %arg1: i32) -> (i32, i32, i32) {
    %c0_i32 = arith.constant 0 : i32
    %c0_i32_0 = arith.constant 0 : i32
    return %arg0, %arg1, %c0_i32 : i32, i32, i32
  }
  func.func @transform_2(%arg0: i32, %arg1: i32) -> (i32, i32) {
    %c0_i32 = arith.constant 0 : i32
    %c0_i32_0 = arith.constant 0 : i32
    %c0_i32_1 = arith.constant 0 : i32
    return %c0_i32, %c0_i32_0 : i32, i32
  }
  func.func @transform_3(%arg0: i32, %arg1: i32) -> (i32, i32) {
    %c0_i32 = arith.constant 0 : i32
    %c0_i32_0 = arith.constant 0 : i32
    %c0_i32_1 = arith.constant 0 : i32
    return %c0_i32, %c0_i32_0 : i32, i32
  }
  func.func @transform_4(%arg0: i32, %arg1: i32) -> (i32, i32) {
    %c0_i32 = arith.constant 0 : i32
    %c0_i32_0 = arith.constant 0 : i32
    %c0_i32_1 = arith.constant 0 : i32
    return %c0_i32, %c0_i32_0 : i32, i32
  }
  func.func @transform_5(%arg0: i32, %arg1: i32) -> (i32, i32) {
    %c0_i32 = arith.constant 0 : i32
    %c0_i32_0 = arith.constant 0 : i32
    %c0_i32_1 = arith.constant 0 : i32
    return %c0_i32, %c0_i32_0 : i32, i32
  }
  func.func @transform_6(%arg0: i32, %arg1: i32) -> (i32, i32) {
    %c0_i32 = arith.constant 0 : i32
    %c0_i32_0 = arith.constant 0 : i32
    %c0_i32_1 = arith.constant 0 : i32
    return %c0_i32, %c0_i32_0 : i32, i32
  }
  func.func @transform_7(%arg0: i32, %arg1: i32) -> (i32, i32) {
    %c0_i32 = arith.constant 0 : i32
    %c0_i32_0 = arith.constant 0 : i32
    %c0_i32_1 = arith.constant 0 : i32
    return %c0_i32, %c0_i32_0 : i32, i32
  }
  func.func @transform_8(%arg0: i32, %arg1: i32) -> (i32, i32) {
    %c0_i32 = arith.constant 0 : i32
    %c0_i32_0 = arith.constant 0 : i32
    %c0_i32_1 = arith.constant 0 : i32
    return %c0_i32, %c0_i32_0 : i32, i32
  }
  func.func @transform_9(%arg0: i32, %arg1: i32) -> (i32, i32) {
    %c0_i32 = arith.constant 0 : i32
    %c0_i32_0 = arith.constant 0 : i32
    %c0_i32_1 = arith.constant 0 : i32
    return %c0_i32, %c0_i32_0 : i32, i32
  }
  func.func @transform_10(%arg0: i32, %arg1: i32) -> (i32, i32) {
    %c0_i32 = arith.constant 0 : i32
    %c0_i32_0 = arith.constant 0 : i32
    %c0_i32_1 = arith.constant 0 : i32
    return %c0_i32, %c0_i32_0 : i32, i32
  }
  func.func @transform_11(%arg0: i32, %arg1: i32) -> (i32, i32) {
    %c0_i32 = arith.constant 0 : i32
    %c0_i32_0 = arith.constant 0 : i32
    %c0_i32_1 = arith.constant 0 : i32
    return %c0_i32, %c0_i32_0 : i32, i32
  }
  func.func @transform_12(%arg0: i32, %arg1: i32) -> (i32, i32) {
    %c0_i32 = arith.constant 0 : i32
    %c0_i32_0 = arith.constant 0 : i32
    %c0_i32_1 = arith.constant 0 : i32
    return %c0_i32, %c0_i32_0 : i32, i32
  }
  func.func @transform_13(%arg0: i32, %arg1: i32) -> (i32, i32) {
    %c0_i32 = arith.constant 0 : i32
    %c0_i32_0 = arith.constant 0 : i32
    %c0_i32_1 = arith.constant 0 : i32
    return %c0_i32, %c0_i32_0 : i32, i32
  }
  func.func @transform_14(%arg0: i32, %arg1: i32) -> (i32, i32) {
    %c0_i32 = arith.constant 0 : i32
    %c0_i32_0 = arith.constant 0 : i32
    %c0_i32_1 = arith.constant 0 : i32
    return %c0_i32, %c0_i32_0 : i32, i32
  }
  func.func @transform_15(%arg0: i32, %arg1: i32) -> (i32, i32, i32) {
    %c0_i32 = arith.constant 0 : i32
    %c0_i32_0 = arith.constant 0 : i32
    return %arg0, %arg1, %c0_i32 : i32, i32, i32
  }
}

</mosaic_0001>

<sc_bundles>
// kernel: kernel.14.cloned.1.call-start
scs
__scs_entry_jumppad:
0x0: {  	(pc) =	sbr.rel $0x88, $3  }
0x1: {  	(tag) =	ssettag $0x0;
	lr =	simm.s32 $0x1  }
0x2: {  	[smem:$0x3F93] =	sst lr;
	_ =	strace $0xD0000000  }
0x3: {  	_ = 	snop  }
0x4: {  	_ = 	snop  }
0x5: {  	_ = 	snop  }
0x6: {  	_ = 	snop  }
0x7: {  	_ = 	snop  }
__scs_overlays_trampoline_lowered:
0x8: {  	[smem:$0x3FA2] =	sst s0  }
0x9: {  	[smem:$0x3FA3] =	sst s1  }
0xa: {  	[smem:$0x3FA4] =	sst s2  }
0xb: {  	[smem:$0x3FA5] =	sst s3  }
0xc: {  	[smem:$0x3FA6] =	sst s4  }
0xd: {  	[smem:$0x3FA7] =	sst s5  }
0xe: {  	[smem:$0x3FA8] =	sst s6  }
0xf: {  	[smem:$0x3FA9] =	sst s7  }
0x10: {  	[smem:$0x3FAA] =	sst s8  }
0x11: {  	[smem:$0x3FAB] =	sst s9;
	s0 =	simm.s32 @!p0 $0x0  }
0x12: {  	s1 =	sld [smem:$0x3F91];
	s0 =	simm.s32 @p0 $0x1  }
0x13: {  	[smem:$0x3FAC] =	sst s0;
	s0 =	simm.s32 @!p1 $0x0  }
0x14: {  	s2 =	sld [smem:$0x3F90];
	s0 =	simm.s32 @p1 $0x1  }
0x15: {  	[smem:$0x3FAD] =	sst s0;
	s0 =	simm.s32 @!p2 $0x0  }
0x16: {  	s3 =	sld [smem:$0x3FDB];
	s0 =	simm.s32 @p2 $0x1  }
0x17: {  	s4 =	simm.s32 $0x1BF5;
	[smem:$0x3FAF] =	sst s0  }
0x18: {  	s0 =	sld [smem:$0x3F92];
	_ =	swait.ge [sflag:s4], $0x0  }
0x19: {  	s7 =	sld [smem:$0x3F93]  }
0x1a: {  	s8 =	sadd.s32 $0xFFFFE003, lr  }
0x1b: {  	s9 =	sadd.s32 $0xFFFFFEF7, lr;
	s5 =	simm.s32 $0xFFFFFFFF;
	p2 =	slt.u32 s8, $0xFFFFF086  }
0x1c: {  	p1 =	slt.u32 s9, $0xF7A;
	s5 =	simm.s32 @!p2 $0x0  }
0x1d: {  	s5 =	simm.s32 @p1 $0x1;
	p0 =	seq.s32 s7, s2  }
0x1e: {  	s7 =	smul.u32 @!p0 $0xF7A, s2;
	p2 =	seq.s32 @!p0 s5, $0x0  }
0x1f: {  	s9 =	smul.u32 $0xF7A, s1;
	s8 =	simm.s32 @!p0 $0x1BF5;
	p2 =	por !p2, p0  }
0x20: {  	[sflag:s8] =	ssyncset.s32 @!p0 $0xFFFFF086;
	s6 =	sadd.s32 @!p0 s3, s7;
	s7 =	simm.s32 @!p0 $0x108  }
0x21: {  	s3 =	sadd.s32 s3, s9;
	s6 =	sadd.s32 @!p0 $0x88, s6;
	s7 =	simm.s32 @p2 $0x1082  }
0x22: {  	[simem:s7], [sflag:s8] =	dma.local @!p0 [hbm:s6], $0xF7A  }
0x23: {  	s9 =	sor.u32 $0xD0000000, s2;
	s6 =	simm.s32 $0x108;
	_ =	swait.ge @!p0 [sflag:s8], $0x0  }
0x24: {  	s3 =	sadd.s32 $0x88, s3;
	s6 =	simm.s32 @!p1 $0x1082;
	[sflag:s4] =	ssyncset.s32 $0xFFFFF086  }
0x25: {  	[simem:s6], [sflag:s4] =	dma.local [hbm:s3], $0xF7A  }
0x26: {  	[smem:$0x3F93] =	sst s1;
	(tag) =	ssettag s2;
	_ =	strace s9  }
0x27: {  	s1 =	sld [smem:$0x3FA3]  }
0x28: {  	s2 =	sld [smem:$0x3FA4]  }
0x29: {  	s4 =	sld [smem:$0x3FA6]  }
0x2a: {  	p0 =	seq.s32 s5, $0x0;
	s5 =	sld [smem:$0x3FA7]  }
0x2b: {  	s6 =	sld [smem:$0x3FA8]  }
0x2c: {  	s7 =	sld [smem:$0x3FA9]  }
0x2d: {  	s3 =	simm.s32 $0x108;
	s8 =	sld [smem:$0x3FAA]  }
0x2e: {  	s3 =	simm.s32 @!p0 $0x1082;
	s9 =	sld [smem:$0x3FAB]  }
0x2f: {  	lr =	sadd.s32 s0, s3;
	s0 =	sld [smem:$0x3FA2]  }
0x30: {  	s3 =	sld [smem:$0x3FA5]  }
0x31: {  	[smem:$0x3FAE] =	sst s10  }
0x32: {  	s10 =	sld [smem:$0x3FAC];
	_ =	sdelay $0x3  }
0x33: {  	p0 =	seq.s32 s10, $0x1;
	s10 =	sld [smem:$0x3FAE];
	_ =	sdelay $0x3  }
0x34: {  	[smem:$0x3FAE] =	sst s10  }
0x35: {  	s10 =	sld [smem:$0x3FAD];
	_ =	sdelay $0x3  }
0x36: {  	p1 =	seq.s32 s10, $0x1;
	s10 =	sld [smem:$0x3FAE];
	_ =	sdelay $0x3  }
0x37: {  	[smem:$0x3FAE] =	sst s10  }
0x38: {  	s10 =	sld [smem:$0x3FAF]  }
0x39: {  	_ = 	snop;
	(pc) =	sbr.ind lr, $3  }
0x3a: {  	_ = 	snop  }
0x3b: {  	_ = 	snop  }
0x3c: {  	p2 =	seq.s32 s10, $0x1;
	s10 =	sld [smem:$0x3FAE]  }
0x3d: {  	_ =	shalt  }
0x3e: {  	_ =	shalt  }
0x3f: {  	_ =	shalt  }
0x40: {  	_ =	shalt  }
0x41: {  	_ =	shalt  }
0x42: {  	_ =	shalt  }
0x43: {  	_ =	shalt  }
0x44: {  	_ =	shalt  }
0x45: {  	_ =	shalt  }
0x46: {  	_ =	shalt  }
0x47: {  	_ =	shalt  }
0x48: {  	_ =	shalt  }
0x49: {  	_ =	shalt  }
0x4a: {  	_ =	shalt  }
0x4b: {  	_ =	shalt  }
0x4c: {  	_ =	shalt  }
0x4d: {  	_ =	shalt  }
0x4e: {  	_ =	shalt  }
0x4f: {  	_ =	shalt  }
0x50: {  	_ =	shalt  }
0x51: {  	_ =	shalt  }
0x52: {  	_ =	shalt  }
0x53: {  	_ =	shalt  }
0x54: {  	_ =	shalt  }
0x55: {  	_ =	shalt  }
0x56: {  	_ =	shalt  }
0x57: {  	_ =	shalt  }
0x58: {  	_ =	shalt  }
0x59: {  	_ =	shalt  }
0x5a: {  	_ =	shalt  }
0x5b: {  	_ =	shalt  }
0x5c: {  	_ =	shalt  }
0x5d: {  	_ =	shalt  }
0x5e: {  	_ =	shalt  }
0x5f: {  	_ =	shalt  }
0x60: {  	_ =	shalt  }
0x61: {  	_ =	shalt  }
0x62: {  	_ =	shalt  }
0x63: {  	_ =	shalt  }
0x64: {  	_ =	shalt  }
0x65: {  	_ =	shalt  }
0x66: {  	_ =	shalt  }
0x67: {  	_ =	shalt  }
0x68: {  	_ =	shalt  }
0x69: {  	_ =	shalt  }
0x6a: {  	_ =	shalt  }
0x6b: {  	_ =	shalt  }
0x6c: {  	_ =	shalt  }
0x6d: {  	_ =	shalt  }
0x6e: {  	_ =	shalt  }
0x6f: {  	_ =	shalt  }
0x70: {  	_ =	shalt  }
0x71: {  	_ =	shalt  }
0x72: {  	_ =	shalt  }
0x73: {  	_ =	shalt  }
0x74: {  	_ =	shalt  }
0x75: {  	_ =	shalt  }
0x76: {  	_ =	shalt  }
0x77: {  	_ =	shalt  }
0x78: {  	_ =	shalt  }
0x79: {  	_ =	shalt  }
0x7a: {  	_ =	shalt  }
0x7b: {  	_ =	shalt  }
0x7c: {  	_ =	shalt  }
0x7d: {  	_ =	shalt  }
0x7e: {  	_ =	shalt  }
0x7f: {  	_ =	shalt  }
0x80: {  	_ =	shalt  }
0x81: {  	_ =	shalt  }
0x82: {  	_ =	shalt  }
0x83: {  	_ =	shalt  }
0x84: {  	_ =	shalt  }
0x85: {  	_ =	shalt  }
0x86: {  	_ =	shalt  }
0x87: {  	_ =	shalt  }
.Lfunc_end0:
.L_simem_size_0:
called_computation_lowered:
.L_overlay_start_0:
0x88: {  	s2 =	sld [smem:$0x3FD9]  }
0x89: {  	s3 =	sld [smem:$0x3FFE];
	_ =	sdelay $0x1  }
0x8a: {  	s1 =	srdreg.scid  }
0x8b: {  	s0 =	sand.u32 $0x1, s1  }
0x8c: {  	s16 =	sshll.u32 s0, $0xA;
	s2 =	sadd.s32 s3, s2  }
0x8d: {  	s2 =	sadd.s32 s2, s16  }
0x8e: {  	[smem:$0x3FBA] =	sst s2  }
0x8f: {  	_ = 	snop  }
0x90: {  	(tm) =	ssettm $0x1  }
0x91: {  	s17 =	sld [smem:$0x3FFB];
	_ =	sdelay $0x3  }
0x92: {  	_ =	strace s17  }
0x93: {  	s2 =	sld [smem:$0x3FFC];
	_ =	sdelay $0x3  }
0x94: {  	_ =	strace s2  }
0x95: {  	s2 =	sld [smem:$0x3FFD];
	_ =	sdelay $0x3  }
0x96: {  	_ =	strace s2  }
0x97: {  	_ =	strace $0x8FFFFFFF  }
0x98: {  	s18 =	sld [smem:$0x3FDB];
	_ =	sdelay $0x1  }
0x99: {  	s19 =	simm.s32 $_scs_section_size  }
0x9a: {  	s4 =	simm.s32 $_size__tile_overlayer_lowered;
	s5 =	simm.s32 $_tile_overlayer_lowered  }
0x9b: {  	s22 =	simm.s32 $0x1BFF;
	s21 =	sshll.u32 s5, $0x1;
	s2 =	sadd.s32 s19, s18  }
0x9c: {  	s6 =	simm.s32 $0x0;
	s20 =	sshll.u32 s4, $0x1;
	s4 =	sadd.s32 s21, s2  }
0x9d: {  	[timem:s6], [sflag:s22] =	dma.local [hbm:s4], s20  }
0x9e: {  	_ =	swait.ge [sflag:s22], s20  }
0x9f: {  	s3 =	ssub.s32 $0x0, s20;
	[sflag:s22] =	ssyncset.done $0x0  }
0xa0: {  	[sflag:s22] =	ssyncadd.s32 s3;
	_ =	sdelay $0x1  }
0xa1: {  	s23 =	simm.s32 $0x1B8B  }
0xa2: {  	_ =	swait.ge [sflag:s23], $0x1  }
0xa3: {  	[sflag:s23] =	ssyncset.done $0x0  }
0xa4: {  	s25 =	simm.s32 $0x1B8E;
	s24 =	sld [smem:$0x3FFE];
	[sflag:s23] =	ssyncadd.s32 $0xFFFFFFFF  }
0xa5: {  	s26 =	simm.s32 $execute0_lowered;
	[smem:$0x3FD2] =	sst s25  }
0xa6: {  	s4 =	sshll.u32 s26, $0x1;
	_ =	strace $0x80000046;
	[dreg:$0x1] =	wrdreg $0xFFFFFFFF  }
0xa7: {  	s28 =	simm.s32 $_size_execute0_lowered;
	s2 =	sadd.s32 s2, s4;
	[dreg:$0x0] =	wrdreg $0x0  }
0xa8: {  	s4 =	sshll.u32 s28, $0x1;
	[dreg:$0x2] =	wrdreg s2  }
0xa9: {  	[dreg:$0x3] =	wrdreg s4  }
0xaa: {  	[dreg:$0x4] =	wrdreg $0xC0  }
0xab: {  	_ =	task [dreg:s6], $0x5FFFF  }
0xac: {  	[dreg:$0x1] =	wrdreg $0xFFFFFFFF  }
0xad: {  	[dreg:$0x0] =	wrdreg $0x60  }
0xae: {  	[dreg:$0x2] =	wrdreg s24  }
0xaf: {  	[dreg:$0x3] =	wrdreg $0x9  }
0xb0: {  	_ =	task.clear_ibuf [dreg:s6], $0x4FFFF;
	_ =	strace $0x90000046  }
0xb1: {  	s29 =	simm.s32 $0x9;
	_ =	strace $0x80000048  }
0xb2: {  	_ =	swait.ge [sflag:s29], $0x1  }
0xb3: {  	[sflag:s29] =	ssyncadd.s32 $0xFFFFFFFF  }
0xb4: {  	_ =	strace $0x90000048  }
0xb5: {  	_ =	sfence  }
0xb6: {  	s30 =	sld [smem:$0x0];
	_ =	sdelay $0x2  }
0xb7: {  	s31 =	sshll.u32 s1, $0xD;
	s1 =	sshrl.u32 s1, $0x2  }
0xb8: {  	s3 =	sand.u32 $0x4000, s31;
	s1 =	sadd.s32 s1, s30  }
0xb9: {  	s0 =	sor.u32 s3, s0;
	s1 =	sshll.u32 s1, $0x11  }
0xba: {  	s0 =	sor.u32 s1, s0  }
0xbb: {  	s0 =	sadd.s32 $0x8F2B, s0  }
0xbc: {  	[sflag:s0] =	ssyncadd.remote.s32 $0x1  }
0xbd: {  	_ =	sfence.sel $0xFFFF  }
0xbe: {  	[dreg:$0x0] =	wrdreg $0xFFFFFFFF;
	(pc) =	sbr.abs _section_cstart, $3  }
0xbf: {  	[dreg:$0x1] =	wrdreg $0xFFFFFFFF  }
0xc0: {  	_ =	task.clear_ibuf [dreg:s6], $0x2FFFF;
	_ =	strace $0x9FFFFFFF  }
0xc1: {  	(tm) =	ssettm $0x7FFFFFFF  }
tec
execute0_lowered:
.L_overlay_start_1:
0x0: {  	(tag) =	ssettag $0x1  }
0x1: {  	s4 =	rddreg [dreg:$0x0]  }
0x2: {  	s0 =	rddreg [dreg:$0x1];
	s2 =	simm.s32 $0x0;
	s3 =	srdreg.scid  }
0x3: {  	s1 =	stileid.u32;
	s10 =	simm.s32 $0x0;
	[smem:$0x7FF] =	sst s2  }
0x4: {  	s5 =	sand.u32 $0x1, s3;
	s6 =	sshll.u32 s1, $0xC;
	s3 =	sadd.s32 $0x4600, s4  }
0x5: {  	s8 =	sshll.u32 s1, $0xF;
	_ =	strace $0x80000047;
	s7 =	sshll.u32 s5, $0xB  }
0x6: {  	s31 =	ssub.s32 $0x2, s5;
	s8 =	sadd.s32 s8, s4;
	s5 =	sshll.u32 s5, $0xE  }
0x7: {  	s6 =	sor.u32 s7, s6;
	s9 =	sshrl.u32 s31, $0x1;
	s5 =	sadd.s32 s5, s8  }
0x8: {  	s8 =	simm.s32 $0x80;
	s6 =	sshrl.u32 s6, $0x3;
	s7 =	ssub.s32 s31, s9  }
0x9: {  	s5 =	sadd.s32 $0xE600, s5;
	s9 =	simm.s32 $0x1;
	s6 =	sadd.s32 s6, s4  }
0xa: {  	s4 =	smax.u32 s7, $0x1;
	s7 =	simm.s32 $0x2;
	s6 =	sadd.s32 $0xC600, s6  }
.LBB2_1:
0xb: {  	s11 =	sadd.s32 $0x0, s6  }
0xc: {  	[tilespmem:s2], [sflag:$0x2] =	stream.linear.gather [hbm4b:s11+s2], $0x80, $0x38;
	[tilespmem:$0x2080] =	vst v63  }
0xd: {  	_ =	swait.ge [sflag:s7], $0x80  }
0xe: {  	[sflag:s7] =	ssyncset.done $0x0  }
0xf: {  	[sflag:s7] =	ssyncadd.s32 $0xFFFFFF80  }
0x10: {  	[tilespmem:s8], [sflag:$0x1] =	stream.indirect.gather [hbm4b:s3+s8], $0x40, s2, s8, $0xb8;
	[tilespmem:$0x2080] =	vst v63  }
0x11: {  	_ =	swait.ge [sflag:s9], $0x2000  }
0x12: {  	[sflag:s9] =	ssyncset.done $0x0  }
0x13: {  	[sflag:s9] =	ssyncadd.s32 $0xFFFFE000  }
0x14: {  	[hbm4b:s5+s2] =	stream.linear.scatter [tilespmem:s8], [sflag:$0x2], $0x2000, $0x38;
	[tilespmem:$0x2080] =	vst v63  }
0x15: {  	s12 =	simm.s32 $0x10;
	_ =	swait.ge [sflag:s7], $0x2000  }
0x16: {  	s13 =	simm.s32 $0x20;
	s11 =	sadd.s32 $0x400, s5;
	[sflag:s7] =	ssyncset.done $0x0  }
.LBB2_2:
0x17: {  	s14 =	sadd.s32 s12, s6  }
0x18: {  	[sflag:s7] =	ssyncadd.s32 $0xFFFFE000;
	s12 =	smov.u32 s13;
	s15 =	sadd.s32 $0x10, s13  }
0x19: {  	[tilespmem:s2], [sflag:$0x2] =	stream.linear.gather [hbm4b:s14+s2], $0x80, $0x38;
	[tilespmem:$0x2080] =	vst v63  }
0x1a: {  	p0 =	sne.s32 s13, $0xF0;
	_ =	swait.ge [sflag:s7], $0x80  }
0x1b: {  	[sflag:s7] =	ssyncset.done $0x0  }
0x1c: {  	[sflag:s7] =	ssyncadd.s32 $0xFFFFFF80  }
0x1d: {  	[tilespmem:s8], [sflag:$0x1] =	stream.indirect.gather [hbm4b:s3+s8], $0x40, s2, s8, $0xb8;
	[tilespmem:$0x2080] =	vst v63  }
0x1e: {  	_ =	swait.ge [sflag:s9], $0x2000  }
.Ltmp0:
0x1f: {  	[sflag:s9] =	ssyncset.done $0x0;
	(pc) =	sbr.rel @p0 .LBB2_2-.Ltmp0, $4  }
0x20: {  	[sflag:s9] =	ssyncadd.s32 $0xFFFFE000  }
0x21: {  	[hbm4b:s11+s2] =	stream.linear.scatter [tilespmem:s8], [sflag:$0x2], $0x2000, $0x38;
	[tilespmem:$0x2080] =	vst v63  }
0x22: {  	_ =	swait.ge [sflag:s7], $0x2000  }
0x23: {  	s13 =	smov.u32 s15;
	s11 =	sadd.s32 $0x400, s11;
	[sflag:s7] =	ssyncset.done $0x0  }
0x24: {  	s12 =	sadd.s32 s12, s6;
	[sflag:s7] =	ssyncadd.s32 $0xFFFFE000  }
0x25: {  	[tilespmem:s2], [sflag:$0x2] =	stream.linear.gather [hbm4b:s12+s2], $0x80, $0x38;
	[tilespmem:$0x2080] =	vst v63  }
0x26: {  	_ =	swait.ge [sflag:s7], $0x80  }
0x27: {  	[sflag:s7] =	ssyncset.done $0x0  }
0x28: {  	[sflag:s7] =	ssyncadd.s32 $0xFFFFFF80  }
0x29: {  	[tilespmem:s8], [sflag:$0x1] =	stream.indirect.gather [hbm4b:s3+s8], $0x40, s2, s8, $0xb8;
	[tilespmem:$0x2080] =	vst v63  }
0x2a: {  	s10 =	sadd.s32 $0x1, s10;
	_ =	swait.ge [sflag:s9], $0x2000  }
0x2b: {  	p0 =	sne.s32 s10, s4;
	[sflag:s9] =	ssyncset.done $0x0  }
.Ltmp1:
0x2c: {  	[sflag:s9] =	ssyncadd.s32 $0xFFFFE000;
	(pc) =	sbr.rel @p0 .LBB2_1-.Ltmp1, $4  }
0x2d: {  	[hbm4b:s11+s2] =	stream.linear.scatter [tilespmem:s8], [sflag:$0x2], $0x2000, $0x38;
	[tilespmem:$0x2080] =	vst v63  }
0x2e: {  	_ =	swait.ge [sflag:s7], $0x2000  }
0x2f: {  	[sflag:s7] =	ssyncset.done $0x0  }
0x30: {  	[sflag:s7] =	ssyncadd.s32 $0xFFFFE000  }
0x31: {  	_ =	sfence.sel $0x180000  }
0x32: {  	[bflag:$0x0] =	sbarrier.arrive $0xFFFF  }
0x33: {  	p0 =	sne.s32 s1, $0x0;
	_ =	strace $0x90000047  }
0x34: {  	s0 =	sadd.s32 @!p0 $0x100000, s0;
	[bflag:$0x2] =	sbarrier.arrive $0xFFFF  }
0x35: {  	[sflag:s0] =	ssyncadd.tile.s32 @!p0 $0x1;
	_ =	shalt  }
.Lfunc_end2:
_tile_overlayer_lowered:
.L_overlay_start_2:
0x36: {  	(tag) =	ssettag $0x2  }
0x37: {  	s0 =	rddreg [dreg:$0x0];
	s2 =	stileid.u32  }
0x38: {  	s1 =	rddreg [dreg:$0x1];
	p0 =	sne.s32 s2, $0x0  }
0x39: {  	s3 =	rddreg [dreg:$0x2];
	[bflag:$0x3] =	sbarrier.arrive $0xFFFF;
	s2 =	simm.s32 @!p0 $0x1C02  }
0x3a: {  	[timem:s3], [sflag:s2] =	dma.local @!p0 [hbm:s0], s1  }
0x3b: {  	s0 =	simm.s32 @!p0 $0x2  }
0x3c: {  	_ =	swait.ge @!p0 [sflag:s0], s1  }
0x3d: {  	s1 =	ssub.s32 @!p0 $0x0, s1;
	[sflag:s0] =	ssyncset.done @!p0 $0x0  }
0x3e: {  	[sflag:s0] =	ssyncadd.s32 @!p0 s1  }
0x3f: {  	[bflag:$0x3] =	sbarrier.arrive $0xFFFF  }
0x40: {  	_ =	shalt  }

// kernel: kernel.17.cloned.1.call-start
scs
__scs_entry_jumppad:
0x0: {  	(pc) =	sbr.rel $0x88, $3  }
0x1: {  	(tag) =	ssettag $0x0;
	lr =	simm.s32 $0x1  }
0x2: {  	[smem:$0x3F93] =	sst lr;
	_ =	strace $0xD0000000  }
0x3: {  	_ = 	snop  }
0x4: {  	_ = 	snop  }
0x5: {  	_ = 	snop  }
0x6: {  	_ = 	snop  }
0x7: {  	_ = 	snop  }
__scs_overlays_trampoline_lowered:
0x8: {  	[smem:$0x3FA2] =	sst s0  }
0x9: {  	[smem:$0x3FA3] =	sst s1  }
0xa: {  	[smem:$0x3FA4] =	sst s2  }
0xb: {  	[smem:$0x3FA5] =	sst s3  }
0xc: {  	[smem:$0x3FA6] =	sst s4  }
0xd: {  	[smem:$0x3FA7] =	sst s5  }
0xe: {  	[smem:$0x3FA8] =	sst s6  }
0xf: {  	[smem:$0x3FA9] =	sst s7  }
0x10: {  	[smem:$0x3FAA] =	sst s8  }
0x11: {  	[smem:$0x3FAB] =	sst s9;
	s0 =	simm.s32 @!p0 $0x0  }
0x12: {  	s1 =	sld [smem:$0x3F91];
	s0 =	simm.s32 @p0 $0x1  }
0x13: {  	[smem:$0x3FAC] =	sst s0;
	s0 =	simm.s32 @!p1 $0x0  }
0x14: {  	s2 =	sld [smem:$0x3F90];
	s0 =	simm.s32 @p1 $0x1  }
0x15: {  	[smem:$0x3FAD] =	sst s0;
	s0 =	simm.s32 @!p2 $0x0  }
0x16: {  	s3 =	sld [smem:$0x3FDB];
	s0 =	simm.s32 @p2 $0x1  }
0x17: {  	s4 =	simm.s32 $0x1BF5;
	[smem:$0x3FAF] =	sst s0  }
0x18: {  	s0 =	sld [smem:$0x3F92];
	_ =	swait.ge [sflag:s4], $0x0  }
0x19: {  	s7 =	sld [smem:$0x3F93]  }
0x1a: {  	s8 =	sadd.s32 $0xFFFFE003, lr  }
0x1b: {  	s9 =	sadd.s32 $0xFFFFFEF7, lr;
	s5 =	simm.s32 $0xFFFFFFFF;
	p2 =	slt.u32 s8, $0xFFFFF086  }
0x1c: {  	p1 =	slt.u32 s9, $0xF7A;
	s5 =	simm.s32 @!p2 $0x0  }
0x1d: {  	s5 =	simm.s32 @p1 $0x1;
	p0 =	seq.s32 s7, s2  }
0x1e: {  	s7 =	smul.u32 @!p0 $0xF7A, s2;
	p2 =	seq.s32 @!p0 s5, $0x0  }
0x1f: {  	s9 =	smul.u32 $0xF7A, s1;
	s8 =	simm.s32 @!p0 $0x1BF5;
	p2 =	por !p2, p0  }
0x20: {  	[sflag:s8] =	ssyncset.s32 @!p0 $0xFFFFF086;
	s6 =	sadd.s32 @!p0 s3, s7;
	s7 =	simm.s32 @!p0 $0x108  }
0x21: {  	s3 =	sadd.s32 s3, s9;
	s6 =	sadd.s32 @!p0 $0x88, s6;
	s7 =	simm.s32 @p2 $0x1082  }
0x22: {  	[simem:s7], [sflag:s8] =	dma.local @!p0 [hbm:s6], $0xF7A  }
0x23: {  	s9 =	sor.u32 $0xD0000000, s2;
	s6 =	simm.s32 $0x108;
	_ =	swait.ge @!p0 [sflag:s8], $0x0  }
0x24: {  	s3 =	sadd.s32 $0x88, s3;
	s6 =	simm.s32 @!p1 $0x1082;
	[sflag:s4] =	ssyncset.s32 $0xFFFFF086  }
0x25: {  	[simem:s6], [sflag:s4] =	dma.local [hbm:s3], $0xF7A  }
0x26: {  	[smem:$0x3F93] =	sst s1;
	(tag) =	ssettag s2;
	_ =	strace s9  }
0x27: {  	s1 =	sld [smem:$0x3FA3]  }
0x28: {  	s2 =	sld [smem:$0x3FA4]  }
0x29: {  	s4 =	sld [smem:$0x3FA6]  }
0x2a: {  	p0 =	seq.s32 s5, $0x0;
	s5 =	sld [smem:$0x3FA7]  }
0x2b: {  	s6 =	sld [smem:$0x3FA8]  }
0x2c: {  	s7 =	sld [smem:$0x3FA9]  }
0x2d: {  	s3 =	simm.s32 $0x108;
	s8 =	sld [smem:$0x3FAA]  }
0x2e: {  	s3 =	simm.s32 @!p0 $0x1082;
	s9 =	sld [smem:$0x3FAB]  }
0x2f: {  	lr =	sadd.s32 s0, s3;
	s0 =	sld [smem:$0x3FA2]  }
0x30: {  	s3 =	sld [smem:$0x3FA5]  }
0x31: {  	[smem:$0x3FAE] =	sst s10  }
0x32: {  	s10 =	sld [smem:$0x3FAC];
	_ =	sdelay $0x3  }
0x33: {  	p0 =	seq.s32 s10, $0x1;
	s10 =	sld [smem:$0x3FAE];
	_ =	sdelay $0x3  }
0x34: {  	[smem:$0x3FAE] =	sst s10  }
0x35: {  	s10 =	sld [smem:$0x3FAD];
	_ =	sdelay $0x3  }
0x36: {  	p1 =	seq.s32 s10, $0x1;
	s10 =	sld [smem:$0x3FAE];
	_ =	sdelay $0x3  }
0x37: {  	[smem:$0x3FAE] =	sst s10  }
0x38: {  	s10 =	sld [smem:$0x3FAF]  }
0x39: {  	_ = 	snop;
	(pc) =	sbr.ind lr, $3  }
0x3a: {  	_ = 	snop  }
0x3b: {  	_ = 	snop  }
0x3c: {  	p2 =	seq.s32 s10, $0x1;
	s10 =	sld [smem:$0x3FAE]  }
0x3d: {  	_ =	shalt  }
0x3e: {  	_ =	shalt  }
0x3f: {  	_ =	shalt  }
0x40: {  	_ =	shalt  }
0x41: {  	_ =	shalt  }
0x42: {  	_ =	shalt  }
0x43: {  	_ =	shalt  }
0x44: {  	_ =	shalt  }
0x45: {  	_ =	shalt  }
0x46: {  	_ =	shalt  }
0x47: {  	_ =	shalt  }
0x48: {  	_ =	shalt  }
0x49: {  	_ =	shalt  }
0x4a: {  	_ =	shalt  }
0x4b: {  	_ =	shalt  }
0x4c: {  	_ =	shalt  }
0x4d: {  	_ =	shalt  }
0x4e: {  	_ =	shalt  }
0x4f: {  	_ =	shalt  }
0x50: {  	_ =	shalt  }
0x51: {  	_ =	shalt  }
0x52: {  	_ =	shalt  }
0x53: {  	_ =	shalt  }
0x54: {  	_ =	shalt  }
0x55: {  	_ =	shalt  }
0x56: {  	_ =	shalt  }
0x57: {  	_ =	shalt  }
0x58: {  	_ =	shalt  }
0x59: {  	_ =	shalt  }
0x5a: {  	_ =	shalt  }
0x5b: {  	_ =	shalt  }
0x5c: {  	_ =	shalt  }
0x5d: {  	_ =	shalt  }
0x5e: {  	_ =	shalt  }
0x5f: {  	_ =	shalt  }
0x60: {  	_ =	shalt  }
0x61: {  	_ =	shalt  }
0x62: {  	_ =	shalt  }
0x63: {  	_ =	shalt  }
0x64: {  	_ =	shalt  }
0x65: {  	_ =	shalt  }
0x66: {  	_ =	shalt  }
0x67: {  	_ =	shalt  }
0x68: {  	_ =	shalt  }
0x69: {  	_ =	shalt  }
0x6a: {  	_ =	shalt  }
0x6b: {  	_ =	shalt  }
0x6c: {  	_ =	shalt  }
0x6d: {  	_ =	shalt  }
0x6e: {  	_ =	shalt  }
0x6f: {  	_ =	shalt  }
0x70: {  	_ =	shalt  }
0x71: {  	_ =	shalt  }
0x72: {  	_ =	shalt  }
0x73: {  	_ =	shalt  }
0x74: {  	_ =	shalt  }
0x75: {  	_ =	shalt  }
0x76: {  	_ =	shalt  }
0x77: {  	_ =	shalt  }
0x78: {  	_ =	shalt  }
0x79: {  	_ =	shalt  }
0x7a: {  	_ =	shalt  }
0x7b: {  	_ =	shalt  }
0x7c: {  	_ =	shalt  }
0x7d: {  	_ =	shalt  }
0x7e: {  	_ =	shalt  }
0x7f: {  	_ =	shalt  }
0x80: {  	_ =	shalt  }
0x81: {  	_ =	shalt  }
0x82: {  	_ =	shalt  }
0x83: {  	_ =	shalt  }
0x84: {  	_ =	shalt  }
0x85: {  	_ =	shalt  }
0x86: {  	_ =	shalt  }
0x87: {  	_ =	shalt  }
.Lfunc_end0:
.L_simem_size_0:
called_computation.1_lowered:
.L_overlay_start_0:
0x88: {  	s2 =	sld [smem:$0x3FD9]  }
0x89: {  	s3 =	sld [smem:$0x3FFE];
	_ =	sdelay $0x1  }
0x8a: {  	s1 =	srdreg.scid  }
0x8b: {  	s0 =	sand.u32 $0x1, s1  }
0x8c: {  	s17 =	sshll.u32 s0, $0xA;
	s2 =	sadd.s32 s3, s2  }
0x8d: {  	s2 =	sadd.s32 s2, s17  }
0x8e: {  	[smem:$0x3FBA] =	sst s2  }
0x8f: {  	_ = 	snop  }
0x90: {  	(tm) =	ssettm $0x1  }
0x91: {  	s18 =	sld [smem:$0x3FFB];
	_ =	sdelay $0x3  }
0x92: {  	_ =	strace s18  }
0x93: {  	s2 =	sld [smem:$0x3FFC];
	_ =	sdelay $0x3  }
0x94: {  	_ =	strace s2  }
0x95: {  	s2 =	sld [smem:$0x3FFD];
	_ =	sdelay $0x3  }
0x96: {  	_ =	strace s2  }
0x97: {  	_ =	strace $0x8FFFFFFF  }
0x98: {  	s19 =	sld [smem:$0x3FDB];
	_ =	sdelay $0x1  }
0x99: {  	s20 =	simm.s32 $_scs_section_size  }
0x9a: {  	s4 =	simm.s32 $_size__tile_overlayer_lowered;
	s5 =	simm.s32 $_tile_overlayer_lowered  }
0x9b: {  	s6 =	simm.s32 $0x1BFF;
	s21 =	sshll.u32 s5, $0x1;
	s3 =	sadd.s32 s20, s19  }
0x9c: {  	s22 =	simm.s32 $0x0;
	s4 =	sshll.u32 s4, $0x1;
	s5 =	sadd.s32 s21, s3  }
0x9d: {  	[timem:s22], [sflag:s6] =	dma.local [hbm:s5], s4  }
0x9e: {  	_ =	swait.ge [sflag:s6], s4  }
0x9f: {  	s4 =	ssub.s32 $0x0, s4;
	[sflag:s6] =	ssyncset.done $0x0  }
0xa0: {  	[sflag:s6] =	ssyncadd.s32 s4;
	_ =	sdelay $0x1  }
0xa1: {  	s23 =	simm.s32 $0x1B8B  }
0xa2: {  	_ =	swait.ge [sflag:s23], $0x1  }
0xa3: {  	[sflag:s23] =	ssyncset.done $0x0  }
0xa4: {  	[sflag:s23] =	ssyncadd.s32 $0xFFFFFFFF  }
0xa5: {  	s4 =	sld [smem:$0x0]  }
0xa6: {  	s5 =	sand.u32 $0xFFFFFFFE, s1  }
0xa7: {  	p0 =	sne.s32 s1, s5  }
0xa8: {  	s5 =	sshll.u32 @p0 s5, $0xE  }
0xa9: {  	s5 =	sadd.s32 @p0 $0x11B8D, s5;
	s6 =	sshll.u32 @p0 s4, $0x11  }
0xaa: {  	s5 =	sor.u32 @p0 s6, s5  }
0xab: {  	[sflag:s5] =	ssyncadd.remote.s32 @p0 $0x1;
	_ =	sdelay $0x1  }
0xac: {  	s5 =	simm.s32 @p0 $0x1B8D  }
0xad: {  	_ =	swait.eq @p0 [sflag:s5], $0x1  }
0xae: {  	[sflag:s5] =	ssyncadd.s32 @p0 $0xFFFFFFFF  }
0xaf: {  	s6 =	sshll.u32 @!p0 s1, $0xE  }
0xb0: {  	s6 =	sor.u32 @!p0 $0x4000, s6;
	s5 =	simm.s32 @!p0 $0x1B8D  }
0xb1: {  	s4 =	sshll.u32 @!p0 s4, $0x11;
	s6 =	sadd.s32 @!p0 $0x11B8D, s6;
	_ =	swait.eq @!p0 [sflag:s5], $0x1  }
0xb2: {  	s4 =	sor.u32 @!p0 s4, s6;
	[sflag:s5] =	ssyncadd.s32 @!p0 $0xFFFFFFFF  }
0xb3: {  	s25 =	simm.s32 $0x1B8E;
	s24 =	sld [smem:$0x3FFE];
	[sflag:s4] =	ssyncadd.remote.s32 @!p0 $0x1  }
0xb4: {  	s26 =	simm.s32 $execute0_lowered;
	[smem:$0x3FD2] =	sst s25  }
0xb5: {  	s5 =	sshll.u32 s26, $0x1;
	_ =	strace $0x80000049;
	[dreg:$0x1] =	wrdreg $0xFFFFFFFF  }
0xb6: {  	s28 =	simm.s32 $_size_execute0_lowered;
	s3 =	sadd.s32 s3, s5;
	[dreg:$0x0] =	wrdreg $0x0  }
0xb7: {  	s5 =	sshll.u32 s28, $0x1;
	[dreg:$0x2] =	wrdreg s3  }
0xb8: {  	[dreg:$0x3] =	wrdreg s5  }
0xb9: {  	[dreg:$0x4] =	wrdreg $0xC0  }
0xba: {  	_ =	task [dreg:s22], $0x5FFFF  }
0xbb: {  	[dreg:$0x1] =	wrdreg $0xFFFFFFFF  }
0xbc: {  	[dreg:$0x0] =	wrdreg $0x60  }
0xbd: {  	[dreg:$0x2] =	wrdreg s24  }
0xbe: {  	[dreg:$0x3] =	wrdreg $0xA  }
0xbf: {  	_ =	task.clear_ibuf [dreg:s22], $0x4FFFF;
	_ =	strace $0x90000049  }
0xc0: {  	s29 =	simm.s32 $0xA;
	_ =	strace $0x8000004B  }
0xc1: {  	_ =	swait.ge [sflag:s29], $0x1  }
0xc2: {  	[sflag:s29] =	ssyncadd.s32 $0xFFFFFFFF  }
0xc3: {  	_ =	strace $0x9000004B  }
0xc4: {  	_ =	sfence  }
0xc5: {  	s30 =	sld [smem:$0x0];
	_ =	sdelay $0x2  }
0xc6: {  	s31 =	sshll.u32 s1, $0xD;
	s1 =	sshrl.u32 s1, $0x2  }
0xc7: {  	s4 =	sand.u32 $0x4000, s31;
	s1 =	sadd.s32 s1, s30  }
0xc8: {  	s0 =	sor.u32 s4, s0;
	s1 =	sshll.u32 s1, $0x11  }
0xc9: {  	s0 =	sor.u32 s1, s0  }
0xca: {  	s0 =	sadd.s32 $0x8F2B, s0  }
0xcb: {  	[sflag:s0] =	ssyncadd.remote.s32 $0x1  }
0xcc: {  	_ =	sfence.sel $0xFFFF  }
0xcd: {  	[dreg:$0x0] =	wrdreg $0xFFFFFFFF;
	(pc) =	sbr.abs _section_cstart, $3  }
0xce: {  	[dreg:$0x1] =	wrdreg $0xFFFFFFFF  }
0xcf: {  	_ =	task.clear_ibuf [dreg:s22], $0x2FFFF;
	_ =	strace $0x9FFFFFFF  }
0xd0: {  	(tm) =	ssettm $0x7FFFFFFF  }
0xd1: {  	_ =	shalt  }
tec
execute0_lowered:
.L_overlay_start_1:
0x0: {  	(tag) =	ssettag $0x1  }
0x1: {  	s4 =	rddreg [dreg:$0x0]  }
0x2: {  	s0 =	rddreg [dreg:$0x1];
	s2 =	simm.s32 $0x0;
	s3 =	srdreg.scid  }
0x3: {  	s1 =	stileid.u32;
	s10 =	simm.s32 $0x0;
	[smem:$0x7FF] =	sst s2  }
0x4: {  	s5 =	sand.u32 $0x1, s3;
	s6 =	sshll.u32 s1, $0xC;
	s3 =	sadd.s32 $0x8E600, s4  }
0x5: {  	s8 =	sshll.u32 s1, $0xF;
	_ =	strace $0x8000004A;
	s7 =	sshll.u32 s5, $0xB  }
0x6: {  	s31 =	ssub.s32 $0x2, s5;
	s8 =	sadd.s32 s8, s4;
	s5 =	sshll.u32 s5, $0xE  }
0x7: {  	s6 =	sor.u32 s7, s6;
	s9 =	sshrl.u32 s31, $0x1;
	s5 =	sadd.s32 s5, s8  }
0x8: {  	s8 =	simm.s32 $0x80;
	s6 =	sshrl.u32 s6, $0x3;
	s7 =	ssub.s32 s31, s9  }
0x9: {  	s5 =	sadd.s32 $0x98600, s5;
	s9 =	simm.s32 $0x1;
	s6 =	sadd.s32 s6, s4  }
0xa: {  	s4 =	smax.u32 s7, $0x1;
	s7 =	simm.s32 $0x2;
	s6 =	sadd.s32 $0x96600, s6  }
.LBB2_1:
0xb: {  	s11 =	sadd.s32 $0x0, s6  }
0xc: {  	[tilespmem:s2], [sflag:$0x2] =	stream.linear.gather [hbm4b:s11+s2], $0x80, $0x38;
	[tilespmem:$0x2080] =	vst v63  }
0xd: {  	_ =	swait.ge [sflag:s7], $0x80  }
0xe: {  	[sflag:s7] =	ssyncset.done $0x0  }
0xf: {  	[sflag:s7] =	ssyncadd.s32 $0xFFFFFF80  }
0x10: {  	[tilespmem:s8], [sflag:$0x1] =	stream.indirect.gather [hbm4b:s3+s8], $0x40, s2, s8, $0xb8;
	[tilespmem:$0x2080] =	vst v63  }
0x11: {  	_ =	swait.ge [sflag:s9], $0x2000  }
0x12: {  	[sflag:s9] =	ssyncset.done $0x0  }
0x13: {  	[sflag:s9] =	ssyncadd.s32 $0xFFFFE000  }
0x14: {  	[hbm4b:s5+s2] =	stream.linear.scatter [tilespmem:s8], [sflag:$0x2], $0x2000, $0x38;
	[tilespmem:$0x2080] =	vst v63  }
0x15: {  	s12 =	simm.s32 $0x10;
	_ =	swait.ge [sflag:s7], $0x2000  }
0x16: {  	s13 =	simm.s32 $0x20;
	s11 =	sadd.s32 $0x400, s5;
	[sflag:s7] =	ssyncset.done $0x0  }
.LBB2_2:
0x17: {  	s14 =	sadd.s32 s12, s6  }
0x18: {  	[sflag:s7] =	ssyncadd.s32 $0xFFFFE000;
	s12 =	smov.u32 s13;
	s15 =	sadd.s32 $0x10, s13  }
0x19: {  	[tilespmem:s2], [sflag:$0x2] =	stream.linear.gather [hbm4b:s14+s2], $0x80, $0x38;
	[tilespmem:$0x2080] =	vst v63  }
0x1a: {  	p0 =	sne.s32 s13, $0xF0;
	_ =	swait.ge [sflag:s7], $0x80  }
0x1b: {  	[sflag:s7] =	ssyncset.done $0x0  }
0x1c: {  	[sflag:s7] =	ssyncadd.s32 $0xFFFFFF80  }
0x1d: {  	[tilespmem:s8], [sflag:$0x1] =	stream.indirect.gather [hbm4b:s3+s8], $0x40, s2, s8, $0xb8;
	[tilespmem:$0x2080] =	vst v63  }
0x1e: {  	_ =	swait.ge [sflag:s9], $0x2000  }
.Ltmp0:
0x1f: {  	[sflag:s9] =	ssyncset.done $0x0;
	(pc) =	sbr.rel @p0 .LBB2_2-.Ltmp0, $4  }
0x20: {  	[sflag:s9] =	ssyncadd.s32 $0xFFFFE000  }
0x21: {  	[hbm4b:s11+s2] =	stream.linear.scatter [tilespmem:s8], [sflag:$0x2], $0x2000, $0x38;
	[tilespmem:$0x2080] =	vst v63  }
0x22: {  	_ =	swait.ge [sflag:s7], $0x2000  }
0x23: {  	s13 =	smov.u32 s15;
	s11 =	sadd.s32 $0x400, s11;
	[sflag:s7] =	ssyncset.done $0x0  }
0x24: {  	s12 =	sadd.s32 s12, s6;
	[sflag:s7] =	ssyncadd.s32 $0xFFFFE000  }
0x25: {  	[tilespmem:s2], [sflag:$0x2] =	stream.linear.gather [hbm4b:s12+s2], $0x80, $0x38;
	[tilespmem:$0x2080] =	vst v63  }
0x26: {  	_ =	swait.ge [sflag:s7], $0x80  }
0x27: {  	[sflag:s7] =	ssyncset.done $0x0  }
0x28: {  	[sflag:s7] =	ssyncadd.s32 $0xFFFFFF80  }
0x29: {  	[tilespmem:s8], [sflag:$0x1] =	stream.indirect.gather [hbm4b:s3+s8], $0x40, s2, s8, $0xb8;
	[tilespmem:$0x2080] =	vst v63  }
0x2a: {  	s10 =	sadd.s32 $0x1, s10;
	_ =	swait.ge [sflag:s9], $0x2000  }
0x2b: {  	p0 =	sne.s32 s10, s4;
	[sflag:s9] =	ssyncset.done $0x0  }
.Ltmp1:
0x2c: {  	[sflag:s9] =	ssyncadd.s32 $0xFFFFE000;
	(pc) =	sbr.rel @p0 .LBB2_1-.Ltmp1, $4  }
0x2d: {  	[hbm4b:s11+s2] =	stream.linear.scatter [tilespmem:s8], [sflag:$0x2], $0x2000, $0x38;
	[tilespmem:$0x2080] =	vst v63  }
0x2e: {  	_ =	swait.ge [sflag:s7], $0x2000  }
0x2f: {  	[sflag:s7] =	ssyncset.done $0x0  }
0x30: {  	[sflag:s7] =	ssyncadd.s32 $0xFFFFE000  }
0x31: {  	_ =	sfence.sel $0x180000  }
0x32: {  	[bflag:$0x0] =	sbarrier.arrive $0xFFFF  }
0x33: {  	p0 =	sne.s32 s1, $0x0;
	_ =	strace $0x9000004A  }
0x34: {  	s0 =	sadd.s32 @!p0 $0x100000, s0;
	[bflag:$0x2] =	sbarrier.arrive $0xFFFF  }
0x35: {  	[sflag:s0] =	ssyncadd.tile.s32 @!p0 $0x1;
	_ =	shalt  }
.Lfunc_end2:
_tile_overlayer_lowered:
.L_overlay_start_2:
0x36: {  	(tag) =	ssettag $0x2  }
0x37: {  	s0 =	rddreg [dreg:$0x0];
	s2 =	stileid.u32  }
0x38: {  	s1 =	rddreg [dreg:$0x1];
	p0 =	sne.s32 s2, $0x0  }
0x39: {  	s3 =	rddreg [dreg:$0x2];
	[bflag:$0x3] =	sbarrier.arrive $0xFFFF;
	s2 =	simm.s32 @!p0 $0x1C02  }
0x3a: {  	[timem:s3], [sflag:s2] =	dma.local @!p0 [hbm:s0], s1  }
0x3b: {  	s0 =	simm.s32 @!p0 $0x2  }
0x3c: {  	_ =	swait.ge @!p0 [sflag:s0], s1  }
0x3d: {  	s1 =	ssub.s32 @!p0 $0x0, s1;
	[sflag:s0] =	ssyncset.done @!p0 $0x0  }
0x3e: {  	[sflag:s0] =	ssyncadd.s32 @!p0 s1  }
0x3f: {  	[bflag:$0x3] =	sbarrier.arrive $0xFFFF  }
0x40: {  	_ =	shalt  }

// kernel: kernel.20.cloned.1.call-start
scs
__scs_entry_jumppad:
0x0: {  	(pc) =	sbr.rel $0x88, $3  }
0x1: {  	(tag) =	ssettag $0x0;
	lr =	simm.s32 $0x1  }
0x2: {  	[smem:$0x3F93] =	sst lr;
	_ =	strace $0xD0000000  }
0x3: {  	_ = 	snop  }
0x4: {  	_ = 	snop  }
0x5: {  	_ = 	snop  }
0x6: {  	_ = 	snop  }
0x7: {  	_ = 	snop  }
__scs_overlays_trampoline_lowered:
0x8: {  	[smem:$0x3FA2] =	sst s0  }
0x9: {  	[smem:$0x3FA3] =	sst s1  }
0xa: {  	[smem:$0x3FA4] =	sst s2  }
0xb: {  	[smem:$0x3FA5] =	sst s3  }
0xc: {  	[smem:$0x3FA6] =	sst s4  }
0xd: {  	[smem:$0x3FA7] =	sst s5  }
0xe: {  	[smem:$0x3FA8] =	sst s6  }
0xf: {  	[smem:$0x3FA9] =	sst s7  }
0x10: {  	[smem:$0x3FAA] =	sst s8  }
0x11: {  	[smem:$0x3FAB] =	sst s9;
	s0 =	simm.s32 @!p0 $0x0  }
0x12: {  	s1 =	sld [smem:$0x3F91];
	s0 =	simm.s32 @p0 $0x1  }
0x13: {  	[smem:$0x3FAC] =	sst s0;
	s0 =	simm.s32 @!p1 $0x0  }
0x14: {  	s2 =	sld [smem:$0x3F90];
	s0 =	simm.s32 @p1 $0x1  }
0x15: {  	[smem:$0x3FAD] =	sst s0;
	s0 =	simm.s32 @!p2 $0x0  }
0x16: {  	s3 =	sld [smem:$0x3FDB];
	s0 =	simm.s32 @p2 $0x1  }
0x17: {  	s4 =	simm.s32 $0x1BF5;
	[smem:$0x3FAF] =	sst s0  }
0x18: {  	s0 =	sld [smem:$0x3F92];
	_ =	swait.ge [sflag:s4], $0x0  }
0x19: {  	s7 =	sld [smem:$0x3F93]  }
0x1a: {  	s8 =	sadd.s32 $0xFFFFE003, lr  }
0x1b: {  	s9 =	sadd.s32 $0xFFFFFEF7, lr;
	s5 =	simm.s32 $0xFFFFFFFF;
	p2 =	slt.u32 s8, $0xFFFFF086  }
0x1c: {  	p1 =	slt.u32 s9, $0xF7A;
	s5 =	simm.s32 @!p2 $0x0  }
0x1d: {  	s5 =	simm.s32 @p1 $0x1;
	p0 =	seq.s32 s7, s2  }
0x1e: {  	s7 =	smul.u32 @!p0 $0xF7A, s2;
	p2 =	seq.s32 @!p0 s5, $0x0  }
0x1f: {  	s9 =	smul.u32 $0xF7A, s1;
	s8 =	simm.s32 @!p0 $0x1BF5;
	p2 =	por !p2, p0  }
0x20: {  	[sflag:s8] =	ssyncset.s32 @!p0 $0xFFFFF086;
	s6 =	sadd.s32 @!p0 s3, s7;
	s7 =	simm.s32 @!p0 $0x108  }
0x21: {  	s3 =	sadd.s32 s3, s9;
	s6 =	sadd.s32 @!p0 $0x88, s6;
	s7 =	simm.s32 @p2 $0x1082  }
0x22: {  	[simem:s7], [sflag:s8] =	dma.local @!p0 [hbm:s6], $0xF7A  }
0x23: {  	s9 =	sor.u32 $0xD0000000, s2;
	s6 =	simm.s32 $0x108;
	_ =	swait.ge @!p0 [sflag:s8], $0x0  }
0x24: {  	s3 =	sadd.s32 $0x88, s3;
	s6 =	simm.s32 @!p1 $0x1082;
	[sflag:s4] =	ssyncset.s32 $0xFFFFF086  }
0x25: {  	[simem:s6], [sflag:s4] =	dma.local [hbm:s3], $0xF7A  }
0x26: {  	[smem:$0x3F93] =	sst s1;
	(tag) =	ssettag s2;
	_ =	strace s9  }
0x27: {  	s1 =	sld [smem:$0x3FA3]  }
0x28: {  	s2 =	sld [smem:$0x3FA4]  }
0x29: {  	s4 =	sld [smem:$0x3FA6]  }
0x2a: {  	p0 =	seq.s32 s5, $0x0;
	s5 =	sld [smem:$0x3FA7]  }
0x2b: {  	s6 =	sld [smem:$0x3FA8]  }
0x2c: {  	s7 =	sld [smem:$0x3FA9]  }
0x2d: {  	s3 =	simm.s32 $0x108;
	s8 =	sld [smem:$0x3FAA]  }
0x2e: {  	s3 =	simm.s32 @!p0 $0x1082;
	s9 =	sld [smem:$0x3FAB]  }
0x2f: {  	lr =	sadd.s32 s0, s3;
	s0 =	sld [smem:$0x3FA2]  }
0x30: {  	s3 =	sld [smem:$0x3FA5]  }
0x31: {  	[smem:$0x3FAE] =	sst s10  }
0x32: {  	s10 =	sld [smem:$0x3FAC];
	_ =	sdelay $0x3  }
0x33: {  	p0 =	seq.s32 s10, $0x1;
	s10 =	sld [smem:$0x3FAE];
	_ =	sdelay $0x3  }
0x34: {  	[smem:$0x3FAE] =	sst s10  }
0x35: {  	s10 =	sld [smem:$0x3FAD];
	_ =	sdelay $0x3  }
0x36: {  	p1 =	seq.s32 s10, $0x1;
	s10 =	sld [smem:$0x3FAE];
	_ =	sdelay $0x3  }
0x37: {  	[smem:$0x3FAE] =	sst s10  }
0x38: {  	s10 =	sld [smem:$0x3FAF]  }
0x39: {  	_ = 	snop;
	(pc) =	sbr.ind lr, $3  }
0x3a: {  	_ = 	snop  }
0x3b: {  	_ = 	snop  }
0x3c: {  	p2 =	seq.s32 s10, $0x1;
	s10 =	sld [smem:$0x3FAE]  }
0x3d: {  	_ =	shalt  }
0x3e: {  	_ =	shalt  }
0x3f: {  	_ =	shalt  }
0x40: {  	_ =	shalt  }
0x41: {  	_ =	shalt  }
0x42: {  	_ =	shalt  }
0x43: {  	_ =	shalt  }
0x44: {  	_ =	shalt  }
0x45: {  	_ =	shalt  }
0x46: {  	_ =	shalt  }
0x47: {  	_ =	shalt  }
0x48: {  	_ =	shalt  }
0x49: {  	_ =	shalt  }
0x4a: {  	_ =	shalt  }
0x4b: {  	_ =	shalt  }
0x4c: {  	_ =	shalt  }
0x4d: {  	_ =	shalt  }
0x4e: {  	_ =	shalt  }
0x4f: {  	_ =	shalt  }
0x50: {  	_ =	shalt  }
0x51: {  	_ =	shalt  }
0x52: {  	_ =	shalt  }
0x53: {  	_ =	shalt  }
0x54: {  	_ =	shalt  }
0x55: {  	_ =	shalt  }
0x56: {  	_ =	shalt  }
0x57: {  	_ =	shalt  }
0x58: {  	_ =	shalt  }
0x59: {  	_ =	shalt  }
0x5a: {  	_ =	shalt  }
0x5b: {  	_ =	shalt  }
0x5c: {  	_ =	shalt  }
0x5d: {  	_ =	shalt  }
0x5e: {  	_ =	shalt  }
0x5f: {  	_ =	shalt  }
0x60: {  	_ =	shalt  }
0x61: {  	_ =	shalt  }
0x62: {  	_ =	shalt  }
0x63: {  	_ =	shalt  }
0x64: {  	_ =	shalt  }
0x65: {  	_ =	shalt  }
0x66: {  	_ =	shalt  }
0x67: {  	_ =	shalt  }
0x68: {  	_ =	shalt  }
0x69: {  	_ =	shalt  }
0x6a: {  	_ =	shalt  }
0x6b: {  	_ =	shalt  }
0x6c: {  	_ =	shalt  }
0x6d: {  	_ =	shalt  }
0x6e: {  	_ =	shalt  }
0x6f: {  	_ =	shalt  }
0x70: {  	_ =	shalt  }
0x71: {  	_ =	shalt  }
0x72: {  	_ =	shalt  }
0x73: {  	_ =	shalt  }
0x74: {  	_ =	shalt  }
0x75: {  	_ =	shalt  }
0x76: {  	_ =	shalt  }
0x77: {  	_ =	shalt  }
0x78: {  	_ =	shalt  }
0x79: {  	_ =	shalt  }
0x7a: {  	_ =	shalt  }
0x7b: {  	_ =	shalt  }
0x7c: {  	_ =	shalt  }
0x7d: {  	_ =	shalt  }
0x7e: {  	_ =	shalt  }
0x7f: {  	_ =	shalt  }
0x80: {  	_ =	shalt  }
0x81: {  	_ =	shalt  }
0x82: {  	_ =	shalt  }
0x83: {  	_ =	shalt  }
0x84: {  	_ =	shalt  }
0x85: {  	_ =	shalt  }
0x86: {  	_ =	shalt  }
0x87: {  	_ =	shalt  }
.Lfunc_end0:
.L_simem_size_0:
called_computation.2_lowered:
.L_overlay_start_0:
0x88: {  	s2 =	sld [smem:$0x3FD9]  }
0x89: {  	s3 =	sld [smem:$0x3FFE];
	_ =	sdelay $0x1  }
0x8a: {  	s1 =	srdreg.scid  }
0x8b: {  	s0 =	sand.u32 $0x1, s1  }
0x8c: {  	s17 =	sshll.u32 s0, $0xA;
	s2 =	sadd.s32 s3, s2  }
0x8d: {  	s2 =	sadd.s32 s2, s17  }
0x8e: {  	[smem:$0x3FBA] =	sst s2  }
0x8f: {  	_ = 	snop  }
0x90: {  	(tm) =	ssettm $0x1  }
0x91: {  	s18 =	sld [smem:$0x3FFB];
	_ =	sdelay $0x3  }
0x92: {  	_ =	strace s18  }
0x93: {  	s2 =	sld [smem:$0x3FFC];
	_ =	sdelay $0x3  }
0x94: {  	_ =	strace s2  }
0x95: {  	s2 =	sld [smem:$0x3FFD];
	_ =	sdelay $0x3  }
0x96: {  	_ =	strace s2  }
0x97: {  	_ =	strace $0x8FFFFFFF  }
0x98: {  	s19 =	sld [smem:$0x3FDB];
	_ =	sdelay $0x1  }
0x99: {  	s20 =	simm.s32 $_scs_section_size  }
0x9a: {  	s4 =	simm.s32 $_size__tile_overlayer_lowered;
	s5 =	simm.s32 $_tile_overlayer_lowered  }
0x9b: {  	s6 =	simm.s32 $0x1BFF;
	s21 =	sshll.u32 s5, $0x1;
	s3 =	sadd.s32 s20, s19  }
0x9c: {  	s22 =	simm.s32 $0x0;
	s4 =	sshll.u32 s4, $0x1;
	s5 =	sadd.s32 s21, s3  }
0x9d: {  	[timem:s22], [sflag:s6] =	dma.local [hbm:s5], s4  }
0x9e: {  	_ =	swait.ge [sflag:s6], s4  }
0x9f: {  	s4 =	ssub.s32 $0x0, s4;
	[sflag:s6] =	ssyncset.done $0x0  }
0xa0: {  	[sflag:s6] =	ssyncadd.s32 s4;
	_ =	sdelay $0x1  }
0xa1: {  	s23 =	simm.s32 $0x1B8B  }
0xa2: {  	_ =	swait.ge [sflag:s23], $0x1  }
0xa3: {  	[sflag:s23] =	ssyncset.done $0x0  }
0xa4: {  	[sflag:s23] =	ssyncadd.s32 $0xFFFFFFFF  }
0xa5: {  	s4 =	sld [smem:$0x0]  }
0xa6: {  	s5 =	sand.u32 $0xFFFFFFFE, s1  }
0xa7: {  	p0 =	sne.s32 s1, s5  }
0xa8: {  	s5 =	sshll.u32 @p0 s5, $0xE  }
0xa9: {  	s5 =	sadd.s32 @p0 $0x11B8D, s5;
	s6 =	sshll.u32 @p0 s4, $0x11  }
0xaa: {  	s5 =	sor.u32 @p0 s6, s5  }
0xab: {  	[sflag:s5] =	ssyncadd.remote.s32 @p0 $0x1;
	_ =	sdelay $0x1  }
0xac: {  	s5 =	simm.s32 @p0 $0x1B8D  }
0xad: {  	_ =	swait.eq @p0 [sflag:s5], $0x1  }
0xae: {  	[sflag:s5] =	ssyncadd.s32 @p0 $0xFFFFFFFF  }
0xaf: {  	s6 =	sshll.u32 @!p0 s1, $0xE  }
0xb0: {  	s6 =	sor.u32 @!p0 $0x4000, s6;
	s5 =	simm.s32 @!p0 $0x1B8D  }
0xb1: {  	s4 =	sshll.u32 @!p0 s4, $0x11;
	s6 =	sadd.s32 @!p0 $0x11B8D, s6;
	_ =	swait.eq @!p0 [sflag:s5], $0x1  }
0xb2: {  	s4 =	sor.u32 @!p0 s4, s6;
	[sflag:s5] =	ssyncadd.s32 @!p0 $0xFFFFFFFF  }
0xb3: {  	s25 =	simm.s32 $0x1B8E;
	s24 =	sld [smem:$0x3FFE];
	[sflag:s4] =	ssyncadd.remote.s32 @!p0 $0x1  }
0xb4: {  	s26 =	simm.s32 $execute0_lowered;
	[smem:$0x3FD2] =	sst s25  }
0xb5: {  	s5 =	sshll.u32 s26, $0x1;
	_ =	strace $0x8000004C;
	[dreg:$0x1] =	wrdreg $0xFFFFFFFF  }
0xb6: {  	s28 =	simm.s32 $_size_execute0_lowered;
	s3 =	sadd.s32 s3, s5;
	[dreg:$0x0] =	wrdreg $0x0  }
0xb7: {  	s5 =	sshll.u32 s28, $0x1;
	[dreg:$0x2] =	wrdreg s3  }
0xb8: {  	[dreg:$0x3] =	wrdreg s5  }
0xb9: {  	[dreg:$0x4] =	wrdreg $0xC0  }
0xba: {  	_ =	task [dreg:s22], $0x5FFFF  }
0xbb: {  	[dreg:$0x1] =	wrdreg $0xFFFFFFFF  }
0xbc: {  	[dreg:$0x0] =	wrdreg $0x60  }
0xbd: {  	[dreg:$0x2] =	wrdreg s24  }
0xbe: {  	[dreg:$0x3] =	wrdreg $0xB  }
0xbf: {  	_ =	task.clear_ibuf [dreg:s22], $0x4FFFF;
	_ =	strace $0x9000004C  }
0xc0: {  	s29 =	simm.s32 $0xB;
	_ =	strace $0x8000004E  }
0xc1: {  	_ =	swait.ge [sflag:s29], $0x1  }
0xc2: {  	[sflag:s29] =	ssyncadd.s32 $0xFFFFFFFF  }
0xc3: {  	_ =	strace $0x9000004E  }
0xc4: {  	_ =	sfence  }
0xc5: {  	s30 =	sld [smem:$0x0];
	_ =	sdelay $0x2  }
0xc6: {  	s31 =	sshll.u32 s1, $0xD;
	s1 =	sshrl.u32 s1, $0x2  }
0xc7: {  	s4 =	sand.u32 $0x4000, s31;
	s1 =	sadd.s32 s1, s30  }
0xc8: {  	s0 =	sor.u32 s4, s0;
	s1 =	sshll.u32 s1, $0x11  }
0xc9: {  	s0 =	sor.u32 s1, s0  }
0xca: {  	s0 =	sadd.s32 $0x8F2B, s0  }
0xcb: {  	[sflag:s0] =	ssyncadd.remote.s32 $0x1  }
0xcc: {  	_ =	sfence.sel $0xFFFF  }
0xcd: {  	[dreg:$0x0] =	wrdreg $0xFFFFFFFF;
	(pc) =	sbr.abs _section_cstart, $3  }
0xce: {  	[dreg:$0x1] =	wrdreg $0xFFFFFFFF  }
0xcf: {  	_ =	task.clear_ibuf [dreg:s22], $0x2FFFF;
	_ =	strace $0x9FFFFFFF  }
0xd0: {  	(tm) =	ssettm $0x7FFFFFFF  }
0xd1: {  	_ =	shalt  }
tec
execute0_lowered:
.L_overlay_start_1:
0x0: {  	(tag) =	ssettag $0x1  }
0x1: {  	s4 =	rddreg [dreg:$0x0]  }
0x2: {  	s0 =	rddreg [dreg:$0x1];
	s2 =	simm.s32 $0x0;
	s3 =	srdreg.scid  }
0x3: {  	s1 =	stileid.u32;
	s10 =	simm.s32 $0x0;
	[smem:$0x7FF] =	sst s2  }
0x4: {  	s5 =	sand.u32 $0x1, s3;
	s6 =	sshll.u32 s1, $0xC;
	s3 =	sadd.s32 $0x118600, s4  }
0x5: {  	s8 =	sshll.u32 s1, $0xF;
	_ =	strace $0x8000004D;
	s7 =	sshll.u32 s5, $0xB  }
0x6: {  	s31 =	ssub.s32 $0x2, s5;
	s8 =	sadd.s32 s8, s4;
	s5 =	sshll.u32 s5, $0xE  }
0x7: {  	s6 =	sor.u32 s7, s6;
	s9 =	sshrl.u32 s31, $0x1;
	s5 =	sadd.s32 s5, s8  }
0x8: {  	s8 =	simm.s32 $0x80;
	s6 =	sshrl.u32 s6, $0x3;
	s7 =	ssub.s32 s31, s9  }
0x9: {  	s5 =	sadd.s32 $0x122600, s5;
	s9 =	simm.s32 $0x1;
	s6 =	sadd.s32 s6, s4  }
0xa: {  	s4 =	smax.u32 s7, $0x1;
	s7 =	simm.s32 $0x2;
	s6 =	sadd.s32 $0x120600, s6  }
.LBB2_1:
0xb: {  	s11 =	sadd.s32 $0x0, s6  }
0xc: {  	[tilespmem:s2], [sflag:$0x2] =	stream.linear.gather [hbm4b:s11+s2], $0x80, $0x38;
	[tilespmem:$0x2080] =	vst v63  }
0xd: {  	_ =	swait.ge [sflag:s7], $0x80  }
0xe: {  	[sflag:s7] =	ssyncset.done $0x0  }
0xf: {  	[sflag:s7] =	ssyncadd.s32 $0xFFFFFF80  }
0x10: {  	[tilespmem:s8], [sflag:$0x1] =	stream.indirect.gather [hbm4b:s3+s8], $0x40, s2, s8, $0xb8;
	[tilespmem:$0x2080] =	vst v63  }
0x11: {  	_ =	swait.ge [sflag:s9], $0x2000  }
0x12: {  	[sflag:s9] =	ssyncset.done $0x0  }
0x13: {  	[sflag:s9] =	ssyncadd.s32 $0xFFFFE000  }
0x14: {  	[hbm4b:s5+s2] =	stream.linear.scatter [tilespmem:s8], [sflag:$0x2], $0x2000, $0x38;
	[tilespmem:$0x2080] =	vst v63  }
0x15: {  	s12 =	simm.s32 $0x10;
	_ =	swait.ge [sflag:s7], $0x2000  }
0x16: {  	s13 =	simm.s32 $0x20;
	s11 =	sadd.s32 $0x400, s5;
	[sflag:s7] =	ssyncset.done $0x0  }
.LBB2_2:
0x17: {  	s14 =	sadd.s32 s12, s6  }
0x18: {  	[sflag:s7] =	ssyncadd.s32 $0xFFFFE000;
	s12 =	smov.u32 s13;
	s15 =	sadd.s32 $0x10, s13  }
0x19: {  	[tilespmem:s2], [sflag:$0x2] =	stream.linear.gather [hbm4b:s14+s2], $0x80, $0x38;
	[tilespmem:$0x2080] =	vst v63  }
0x1a: {  	p0 =	sne.s32 s13, $0xF0;
	_ =	swait.ge [sflag:s7], $0x80  }
0x1b: {  	[sflag:s7] =	ssyncset.done $0x0  }
0x1c: {  	[sflag:s7] =	ssyncadd.s32 $0xFFFFFF80  }
0x1d: {  	[tilespmem:s8], [sflag:$0x1] =	stream.indirect.gather [hbm4b:s3+s8], $0x40, s2, s8, $0xb8;
	[tilespmem:$0x2080] =	vst v63  }
0x1e: {  	_ =	swait.ge [sflag:s9], $0x2000  }
.Ltmp0:
0x1f: {  	[sflag:s9] =	ssyncset.done $0x0;
	(pc) =	sbr.rel @p0 .LBB2_2-.Ltmp0, $4  }
0x20: {  	[sflag:s9] =	ssyncadd.s32 $0xFFFFE000  }
0x21: {  	[hbm4b:s11+s2] =	stream.linear.scatter [tilespmem:s8], [sflag:$0x2], $0x2000, $0x38;
	[tilespmem:$0x2080] =	vst v63  }
0x22: {  	_ =	swait.ge [sflag:s7], $0x2000  }
0x23: {  	s13 =	smov.u32 s15;
	s11 =	sadd.s32 $0x400, s11;
	[sflag:s7] =	ssyncset.done $0x0  }
0x24: {  	s12 =	sadd.s32 s12, s6;
	[sflag:s7] =	ssyncadd.s32 $0xFFFFE000  }
0x25: {  	[tilespmem:s2], [sflag:$0x2] =	stream.linear.gather [hbm4b:s12+s2], $0x80, $0x38;
	[tilespmem:$0x2080] =	vst v63  }
0x26: {  	_ =	swait.ge [sflag:s7], $0x80  }
0x27: {  	[sflag:s7] =	ssyncset.done $0x0  }
0x28: {  	[sflag:s7] =	ssyncadd.s32 $0xFFFFFF80  }
0x29: {  	[tilespmem:s8], [sflag:$0x1] =	stream.indirect.gather [hbm4b:s3+s8], $0x40, s2, s8, $0xb8;
	[tilespmem:$0x2080] =	vst v63  }
0x2a: {  	s10 =	sadd.s32 $0x1, s10;
	_ =	swait.ge [sflag:s9], $0x2000  }
0x2b: {  	p0 =	sne.s32 s10, s4;
	[sflag:s9] =	ssyncset.done $0x0  }
.Ltmp1:
0x2c: {  	[sflag:s9] =	ssyncadd.s32 $0xFFFFE000;
	(pc) =	sbr.rel @p0 .LBB2_1-.Ltmp1, $4  }
0x2d: {  	[hbm4b:s11+s2] =	stream.linear.scatter [tilespmem:s8], [sflag:$0x2], $0x2000, $0x38;
	[tilespmem:$0x2080] =	vst v63  }
0x2e: {  	_ =	swait.ge [sflag:s7], $0x2000  }
0x2f: {  	[sflag:s7] =	ssyncset.done $0x0  }
0x30: {  	[sflag:s7] =	ssyncadd.s32 $0xFFFFE000  }
0x31: {  	_ =	sfence.sel $0x180000  }
0x32: {  	[bflag:$0x0] =	sbarrier.arrive $0xFFFF  }
0x33: {  	p0 =	sne.s32 s1, $0x0;
	_ =	strace $0x9000004D  }
0x34: {  	s0 =	sadd.s32 @!p0 $0x100000, s0;
	[bflag:$0x2] =	sbarrier.arrive $0xFFFF  }
0x35: {  	[sflag:s0] =	ssyncadd.tile.s32 @!p0 $0x1;
	_ =	shalt  }
.Lfunc_end2:
_tile_overlayer_lowered:
.L_overlay_start_2:
0x36: {  	(tag) =	ssettag $0x2  }
0x37: {  	s0 =	rddreg [dreg:$0x0];
	s2 =	stileid.u32  }
0x38: {  	s1 =	rddreg [dreg:$0x1];
	p0 =	sne.s32 s2, $0x0  }
0x39: {  	s3 =	rddreg [dreg:$0x2];
	[bflag:$0x3] =	sbarrier.arrive $0xFFFF;
	s2 =	simm.s32 @!p0 $0x1C02  }
0x3a: {  	[timem:s3], [sflag:s2] =	dma.local @!p0 [hbm:s0], s1  }
0x3b: {  	s0 =	simm.s32 @!p0 $0x2  }
0x3c: {  	_ =	swait.ge @!p0 [sflag:s0], s1  }
0x3d: {  	s1 =	ssub.s32 @!p0 $0x0, s1;
	[sflag:s0] =	ssyncset.done @!p0 $0x0  }
0x3e: {  	[sflag:s0] =	ssyncadd.s32 @!p0 s1  }
0x3f: {  	[bflag:$0x3] =	sbarrier.arrive $0xFFFF  }
0x40: {  	_ =	shalt  }

// kernel: kernel.23.cloned.1.call-start
scs
__scs_entry_jumppad:
0x0: {  	(pc) =	sbr.rel $0x88, $3  }
0x1: {  	(tag) =	ssettag $0x0;
	lr =	simm.s32 $0x1  }
0x2: {  	[smem:$0x3F93] =	sst lr;
	_ =	strace $0xD0000000  }
0x3: {  	_ = 	snop  }
0x4: {  	_ = 	snop  }
0x5: {  	_ = 	snop  }
0x6: {  	_ = 	snop  }
0x7: {  	_ = 	snop  }
__scs_overlays_trampoline_lowered:
0x8: {  	[smem:$0x3FA2] =	sst s0  }
0x9: {  	[smem:$0x3FA3] =	sst s1  }
0xa: {  	[smem:$0x3FA4] =	sst s2  }
0xb: {  	[smem:$0x3FA5] =	sst s3  }
0xc: {  	[smem:$0x3FA6] =	sst s4  }
0xd: {  	[smem:$0x3FA7] =	sst s5  }
0xe: {  	[smem:$0x3FA8] =	sst s6  }
0xf: {  	[smem:$0x3FA9] =	sst s7  }
0x10: {  	[smem:$0x3FAA] =	sst s8  }
0x11: {  	[smem:$0x3FAB] =	sst s9;
	s0 =	simm.s32 @!p0 $0x0  }
0x12: {  	s1 =	sld [smem:$0x3F91];
	s0 =	simm.s32 @p0 $0x1  }
0x13: {  	[smem:$0x3FAC] =	sst s0;
	s0 =	simm.s32 @!p1 $0x0  }
0x14: {  	s2 =	sld [smem:$0x3F90];
	s0 =	simm.s32 @p1 $0x1  }
0x15: {  	[smem:$0x3FAD] =	sst s0;
	s0 =	simm.s32 @!p2 $0x0  }
0x16: {  	s3 =	sld [smem:$0x3FDB];
	s0 =	simm.s32 @p2 $0x1  }
0x17: {  	s4 =	simm.s32 $0x1BF5;
	[smem:$0x3FAF] =	sst s0  }
0x18: {  	s0 =	sld [smem:$0x3F92];
	_ =	swait.ge [sflag:s4], $0x0  }
0x19: {  	s7 =	sld [smem:$0x3F93]  }
0x1a: {  	s8 =	sadd.s32 $0xFFFFE003, lr  }
0x1b: {  	s9 =	sadd.s32 $0xFFFFFEF7, lr;
	s5 =	simm.s32 $0xFFFFFFFF;
	p2 =	slt.u32 s8, $0xFFFFF086  }
0x1c: {  	p1 =	slt.u32 s9, $0xF7A;
	s5 =	simm.s32 @!p2 $0x0  }
0x1d: {  	s5 =	simm.s32 @p1 $0x1;
	p0 =	seq.s32 s7, s2  }
0x1e: {  	s7 =	smul.u32 @!p0 $0xF7A, s2;
	p2 =	seq.s32 @!p0 s5, $0x0  }
0x1f: {  	s9 =	smul.u32 $0xF7A, s1;
	s8 =	simm.s32 @!p0 $0x1BF5;
	p2 =	por !p2, p0  }
0x20: {  	[sflag:s8] =	ssyncset.s32 @!p0 $0xFFFFF086;
	s6 =	sadd.s32 @!p0 s3, s7;
	s7 =	simm.s32 @!p0 $0x108  }
0x21: {  	s3 =	sadd.s32 s3, s9;
	s6 =	sadd.s32 @!p0 $0x88, s6;
	s7 =	simm.s32 @p2 $0x1082  }
0x22: {  	[simem:s7], [sflag:s8] =	dma.local @!p0 [hbm:s6], $0xF7A  }
0x23: {  	s9 =	sor.u32 $0xD0000000, s2;
	s6 =	simm.s32 $0x108;
	_ =	swait.ge @!p0 [sflag:s8], $0x0  }
0x24: {  	s3 =	sadd.s32 $0x88, s3;
	s6 =	simm.s32 @!p1 $0x1082;
	[sflag:s4] =	ssyncset.s32 $0xFFFFF086  }
0x25: {  	[simem:s6], [sflag:s4] =	dma.local [hbm:s3], $0xF7A  }
0x26: {  	[smem:$0x3F93] =	sst s1;
	(tag) =	ssettag s2;
	_ =	strace s9  }
0x27: {  	s1 =	sld [smem:$0x3FA3]  }
0x28: {  	s2 =	sld [smem:$0x3FA4]  }
0x29: {  	s4 =	sld [smem:$0x3FA6]  }
0x2a: {  	p0 =	seq.s32 s5, $0x0;
	s5 =	sld [smem:$0x3FA7]  }
0x2b: {  	s6 =	sld [smem:$0x3FA8]  }
0x2c: {  	s7 =	sld [smem:$0x3FA9]  }
0x2d: {  	s3 =	simm.s32 $0x108;
	s8 =	sld [smem:$0x3FAA]  }
0x2e: {  	s3 =	simm.s32 @!p0 $0x1082;
	s9 =	sld [smem:$0x3FAB]  }
0x2f: {  	lr =	sadd.s32 s0, s3;
	s0 =	sld [smem:$0x3FA2]  }
0x30: {  	s3 =	sld [smem:$0x3FA5]  }
0x31: {  	[smem:$0x3FAE] =	sst s10  }
0x32: {  	s10 =	sld [smem:$0x3FAC];
	_ =	sdelay $0x3  }
0x33: {  	p0 =	seq.s32 s10, $0x1;
	s10 =	sld [smem:$0x3FAE];
	_ =	sdelay $0x3  }
0x34: {  	[smem:$0x3FAE] =	sst s10  }
0x35: {  	s10 =	sld [smem:$0x3FAD];
	_ =	sdelay $0x3  }
0x36: {  	p1 =	seq.s32 s10, $0x1;
	s10 =	sld [smem:$0x3FAE];
	_ =	sdelay $0x3  }
0x37: {  	[smem:$0x3FAE] =	sst s10  }
0x38: {  	s10 =	sld [smem:$0x3FAF]  }
0x39: {  	_ = 	snop;
	(pc) =	sbr.ind lr, $3  }
0x3a: {  	_ = 	snop  }
0x3b: {  	_ = 	snop  }
0x3c: {  	p2 =	seq.s32 s10, $0x1;
	s10 =	sld [smem:$0x3FAE]  }
0x3d: {  	_ =	shalt  }
0x3e: {  	_ =	shalt  }
0x3f: {  	_ =	shalt  }
0x40: {  	_ =	shalt  }
0x41: {  	_ =	shalt  }
0x42: {  	_ =	shalt  }
0x43: {  	_ =	shalt  }
0x44: {  	_ =	shalt  }
0x45: {  	_ =	shalt  }
0x46: {  	_ =	shalt  }
0x47: {  	_ =	shalt  }
0x48: {  	_ =	shalt  }
0x49: {  	_ =	shalt  }
0x4a: {  	_ =	shalt  }
0x4b: {  	_ =	shalt  }
0x4c: {  	_ =	shalt  }
0x4d: {  	_ =	shalt  }
0x4e: {  	_ =	shalt  }
0x4f: {  	_ =	shalt  }
0x50: {  	_ =	shalt  }
0x51: {  	_ =	shalt  }
0x52: {  	_ =	shalt  }
0x53: {  	_ =	shalt  }
0x54: {  	_ =	shalt  }
0x55: {  	_ =	shalt  }
0x56: {  	_ =	shalt  }
0x57: {  	_ =	shalt  }
0x58: {  	_ =	shalt  }
0x59: {  	_ =	shalt  }
0x5a: {  	_ =	shalt  }
0x5b: {  	_ =	shalt  }
0x5c: {  	_ =	shalt  }
0x5d: {  	_ =	shalt  }
0x5e: {  	_ =	shalt  }
0x5f: {  	_ =	shalt  }
0x60: {  	_ =	shalt  }
0x61: {  	_ =	shalt  }
0x62: {  	_ =	shalt  }
0x63: {  	_ =	shalt  }
0x64: {  	_ =	shalt  }
0x65: {  	_ =	shalt  }
0x66: {  	_ =	shalt  }
0x67: {  	_ =	shalt  }
0x68: {  	_ =	shalt  }
0x69: {  	_ =	shalt  }
0x6a: {  	_ =	shalt  }
0x6b: {  	_ =	shalt  }
0x6c: {  	_ =	shalt  }
0x6d: {  	_ =	shalt  }
0x6e: {  	_ =	shalt  }
0x6f: {  	_ =	shalt  }
0x70: {  	_ =	shalt  }
0x71: {  	_ =	shalt  }
0x72: {  	_ =	shalt  }
0x73: {  	_ =	shalt  }
0x74: {  	_ =	shalt  }
0x75: {  	_ =	shalt  }
0x76: {  	_ =	shalt  }
0x77: {  	_ =	shalt  }
0x78: {  	_ =	shalt  }
0x79: {  	_ =	shalt  }
0x7a: {  	_ =	shalt  }
0x7b: {  	_ =	shalt  }
0x7c: {  	_ =	shalt  }
0x7d: {  	_ =	shalt  }
0x7e: {  	_ =	shalt  }
0x7f: {  	_ =	shalt  }
0x80: {  	_ =	shalt  }
0x81: {  	_ =	shalt  }
0x82: {  	_ =	shalt  }
0x83: {  	_ =	shalt  }
0x84: {  	_ =	shalt  }
0x85: {  	_ =	shalt  }
0x86: {  	_ =	shalt  }
0x87: {  	_ =	shalt  }
.Lfunc_end0:
.L_simem_size_0:
called_computation.3_lowered:
.L_overlay_start_0:
0x88: {  	s2 =	sld [smem:$0x3FD9]  }
0x89: {  	s3 =	sld [smem:$0x3FFE];
	_ =	sdelay $0x1  }
0x8a: {  	s1 =	srdreg.scid  }
0x8b: {  	s0 =	sand.u32 $0x1, s1  }
0x8c: {  	s17 =	sshll.u32 s0, $0xA;
	s2 =	sadd.s32 s3, s2  }
0x8d: {  	s2 =	sadd.s32 s2, s17  }
0x8e: {  	[smem:$0x3FBA] =	sst s2  }
0x8f: {  	_ = 	snop  }
0x90: {  	s18 =	sld [smem:$0x3FD0];
	(tm) =	ssettm $0x1  }
0x91: {  	s19 =	sld [smem:$0x3FFB];
	_ =	sdelay $0x3  }
0x92: {  	_ =	strace s19  }
0x93: {  	s2 =	sld [smem:$0x3FFC];
	_ =	sdelay $0x3  }
0x94: {  	_ =	strace s2  }
0x95: {  	s2 =	sld [smem:$0x3FFD];
	_ =	sdelay $0x3  }
0x96: {  	_ =	strace s2  }
0x97: {  	_ =	strace $0x8FFFFFFF  }
0x98: {  	s20 =	sld [smem:$0x3FDB];
	_ =	sdelay $0x1  }
0x99: {  	s4 =	simm.s32 $_scs_section_size  }
0x9a: {  	s5 =	simm.s32 $_size__tile_overlayer_lowered;
	s6 =	simm.s32 $_tile_overlayer_lowered  }
0x9b: {  	s7 =	simm.s32 $0x1BFF;
	s21 =	sshll.u32 s6, $0x1;
	s4 =	sadd.s32 s4, s20  }
0x9c: {  	s22 =	simm.s32 $0x0;
	s5 =	sshll.u32 s5, $0x1;
	s6 =	sadd.s32 s21, s4  }
0x9d: {  	[timem:s22], [sflag:s7] =	dma.local [hbm:s6], s5  }
0x9e: {  	_ =	swait.ge [sflag:s7], s5  }
0x9f: {  	s5 =	ssub.s32 $0x0, s5;
	[sflag:s7] =	ssyncset.done $0x0  }
0xa0: {  	[sflag:s7] =	ssyncadd.s32 s5;
	_ =	sdelay $0x1  }
0xa1: {  	s23 =	simm.s32 $0x1B8B  }
0xa2: {  	_ =	swait.ge [sflag:s23], $0x1  }
0xa3: {  	[sflag:s23] =	ssyncset.done $0x0  }
0xa4: {  	[sflag:s23] =	ssyncadd.s32 $0xFFFFFFFF  }
0xa5: {  	s5 =	sld [smem:$0x0]  }
0xa6: {  	s6 =	sand.u32 $0xFFFFFFFE, s1  }
0xa7: {  	p0 =	sne.s32 s1, s6  }
0xa8: {  	s6 =	sshll.u32 @p0 s6, $0xE  }
0xa9: {  	s6 =	sadd.s32 @p0 $0x11B8D, s6;
	s7 =	sshll.u32 @p0 s5, $0x11  }
0xaa: {  	s6 =	sor.u32 @p0 s7, s6  }
0xab: {  	[sflag:s6] =	ssyncadd.remote.s32 @p0 $0x1;
	_ =	sdelay $0x1  }
0xac: {  	s6 =	simm.s32 @p0 $0x1B8D  }
0xad: {  	_ =	swait.eq @p0 [sflag:s6], $0x1  }
0xae: {  	[sflag:s6] =	ssyncadd.s32 @p0 $0xFFFFFFFF  }
0xaf: {  	s7 =	sshll.u32 @!p0 s1, $0xE  }
0xb0: {  	s7 =	sor.u32 @!p0 $0x4000, s7;
	s6 =	simm.s32 @!p0 $0x1B8D  }
0xb1: {  	s5 =	sshll.u32 @!p0 s5, $0x11;
	s7 =	sadd.s32 @!p0 $0x11B8D, s7;
	_ =	swait.eq @!p0 [sflag:s6], $0x1  }
0xb2: {  	s5 =	sor.u32 @!p0 s5, s7;
	[sflag:s6] =	ssyncadd.s32 @!p0 $0xFFFFFFFF  }
0xb3: {  	s25 =	simm.s32 $0x1B8E;
	s24 =	sld [smem:$0x3FFE];
	[sflag:s5] =	ssyncadd.remote.s32 @!p0 $0x1  }
0xb4: {  	s26 =	simm.s32 $execute0_lowered;
	[smem:$0x3FD2] =	sst s25  }
0xb5: {  	s6 =	sshll.u32 s26, $0x1;
	_ =	strace $0x8000004F;
	[dreg:$0x1] =	wrdreg $0xFFFFFFFF  }
0xb6: {  	s28 =	simm.s32 $_size_execute0_lowered;
	s4 =	sadd.s32 s4, s6;
	[dreg:$0x0] =	wrdreg $0x0  }
0xb7: {  	s6 =	sshll.u32 s28, $0x1;
	[dreg:$0x2] =	wrdreg s4  }
0xb8: {  	[dreg:$0x3] =	wrdreg s6  }
0xb9: {  	[dreg:$0x4] =	wrdreg $0xC0  }
0xba: {  	_ =	task [dreg:s22], $0x5FFFF  }
0xbb: {  	[dreg:$0x1] =	wrdreg $0xFFFFFFFF  }
0xbc: {  	[dreg:$0x0] =	wrdreg $0x60  }
0xbd: {  	[dreg:$0x2] =	wrdreg s18  }
0xbe: {  	[dreg:$0x3] =	wrdreg s24  }
0xbf: {  	[dreg:$0x4] =	wrdreg $0xC  }
0xc0: {  	_ =	task.clear_ibuf [dreg:s22], $0x5FFFF;
	_ =	strace $0x9000004F  }
0xc1: {  	s29 =	simm.s32 $0xC;
	_ =	strace $0x80000051  }
0xc2: {  	_ =	swait.ge [sflag:s29], $0x1  }
0xc3: {  	[sflag:s29] =	ssyncadd.s32 $0xFFFFFFFF  }
0xc4: {  	_ =	strace $0x90000051  }
0xc5: {  	_ =	sfence  }
0xc6: {  	s30 =	sld [smem:$0x0];
	_ =	sdelay $0x2  }
0xc7: {  	s31 =	sshll.u32 s1, $0xD;
	s1 =	sshrl.u32 s1, $0x2  }
0xc8: {  	s4 =	sand.u32 $0x4000, s31;
	s1 =	sadd.s32 s1, s30  }
0xc9: {  	s0 =	sor.u32 s4, s0;
	s1 =	sshll.u32 s1, $0x11  }
0xca: {  	s0 =	sor.u32 s1, s0  }
0xcb: {  	s0 =	sadd.s32 $0x8F2B, s0  }
0xcc: {  	[sflag:s0] =	ssyncadd.remote.s32 $0x1  }
0xcd: {  	_ =	sfence.sel $0xFFFF  }
0xce: {  	[dreg:$0x0] =	wrdreg $0xFFFFFFFF;
	(pc) =	sbr.abs _section_cstart, $3  }
0xcf: {  	[dreg:$0x1] =	wrdreg $0xFFFFFFFF  }
0xd0: {  	_ =	task.clear_ibuf [dreg:s22], $0x2FFFF;
	_ =	strace $0x9FFFFFFF  }
0xd1: {  	(tm) =	ssettm $0x7FFFFFFF  }
tec
execute0_lowered:
.L_overlay_start_1:
0x0: {  	(tag) =	ssettag $0x1  }
0x1: {  	s1 =	rddreg [dreg:$0x0]  }
0x2: {  	s4 =	rddreg [dreg:$0x1]  }
0x3: {  	s0 =	rddreg [dreg:$0x2];
	s5 =	srdreg.scid  }
0x4: {  	s3 =	simm.s32 $0x0;
	s2 =	stileid.u32;
	s10 =	simm.s32 $0x0  }
0x5: {  	s5 =	sand.u32 $0x1, s5;
	[smem:$0x7FF] =	sst s3;
	s6 =	sshll.u32 s2, $0xC  }
0x6: {  	s8 =	sshll.u32 s2, $0xF;
	s7 =	sshll.u32 s5, $0xB;
	_ =	strace $0x80000050  }
0x7: {  	s31 =	ssub.s32 $0x2, s5;
	s8 =	sadd.s32 s8, s4;
	s5 =	sshll.u32 s5, $0xE  }
0x8: {  	s6 =	sor.u32 s7, s6;
	s9 =	sshrl.u32 s31, $0x1;
	s5 =	sadd.s32 s5, s8  }
0x9: {  	s8 =	simm.s32 $0x80;
	s6 =	sshrl.u32 s6, $0x3;
	s7 =	ssub.s32 s31, s9  }
0xa: {  	s5 =	sadd.s32 $0x1A4600, s5;
	s9 =	simm.s32 $0x1;
	s6 =	sadd.s32 s6, s4  }
0xb: {  	s4 =	smax.u32 s7, $0x1;
	s7 =	simm.s32 $0x2;
	s6 =	sadd.s32 $0x1A2600, s6  }
.LBB2_1:
0xc: {  	s11 =	sadd.s32 $0x0, s6  }
0xd: {  	[tilespmem:s3], [sflag:$0x2] =	stream.linear.gather [hbm4b:s11+s3], $0x80, $0x38;
	[tilespmem:$0x2080] =	vst v63  }
0xe: {  	_ =	swait.ge [sflag:s7], $0x80  }
0xf: {  	[sflag:s7] =	ssyncset.done $0x0  }
0x10: {  	[sflag:s7] =	ssyncadd.s32 $0xFFFFFF80  }
0x11: {  	[tilespmem:s8], [sflag:$0x1] =	stream.indirect.gather [hbm4b:s1+s8], $0x40, s3, s8, $0xb8;
	[tilespmem:$0x2080] =	vst v63  }
0x12: {  	_ =	swait.ge [sflag:s9], $0x2000  }
0x13: {  	[sflag:s9] =	ssyncset.done $0x0  }
0x14: {  	[sflag:s9] =	ssyncadd.s32 $0xFFFFE000  }
0x15: {  	[hbm4b:s5+s3] =	stream.linear.scatter [tilespmem:s8], [sflag:$0x2], $0x2000, $0x38;
	[tilespmem:$0x2080] =	vst v63  }
0x16: {  	s12 =	simm.s32 $0x10;
	_ =	swait.ge [sflag:s7], $0x2000  }
0x17: {  	s13 =	simm.s32 $0x20;
	s11 =	sadd.s32 $0x400, s5;
	[sflag:s7] =	ssyncset.done $0x0  }
.LBB2_2:
0x18: {  	s14 =	sadd.s32 s12, s6  }
0x19: {  	[sflag:s7] =	ssyncadd.s32 $0xFFFFE000;
	s12 =	smov.u32 s13;
	s15 =	sadd.s32 $0x10, s13  }
0x1a: {  	[tilespmem:s3], [sflag:$0x2] =	stream.linear.gather [hbm4b:s14+s3], $0x80, $0x38;
	[tilespmem:$0x2080] =	vst v63  }
0x1b: {  	p0 =	sne.s32 s13, $0xF0;
	_ =	swait.ge [sflag:s7], $0x80  }
0x1c: {  	[sflag:s7] =	ssyncset.done $0x0  }
0x1d: {  	[sflag:s7] =	ssyncadd.s32 $0xFFFFFF80  }
0x1e: {  	[tilespmem:s8], [sflag:$0x1] =	stream.indirect.gather [hbm4b:s1+s8], $0x40, s3, s8, $0xb8;
	[tilespmem:$0x2080] =	vst v63  }
0x1f: {  	_ =	swait.ge [sflag:s9], $0x2000  }
.Ltmp0:
0x20: {  	[sflag:s9] =	ssyncset.done $0x0;
	(pc) =	sbr.rel @p0 .LBB2_2-.Ltmp0, $4  }
0x21: {  	[sflag:s9] =	ssyncadd.s32 $0xFFFFE000  }
0x22: {  	[hbm4b:s11+s3] =	stream.linear.scatter [tilespmem:s8], [sflag:$0x2], $0x2000, $0x38;
	[tilespmem:$0x2080] =	vst v63  }
0x23: {  	_ =	swait.ge [sflag:s7], $0x2000  }
0x24: {  	s13 =	smov.u32 s15;
	s11 =	sadd.s32 $0x400, s11;
	[sflag:s7] =	ssyncset.done $0x0  }
0x25: {  	s12 =	sadd.s32 s12, s6;
	[sflag:s7] =	ssyncadd.s32 $0xFFFFE000  }
0x26: {  	[tilespmem:s3], [sflag:$0x2] =	stream.linear.gather [hbm4b:s12+s3], $0x80, $0x38;
	[tilespmem:$0x2080] =	vst v63  }
0x27: {  	_ =	swait.ge [sflag:s7], $0x80  }
0x28: {  	[sflag:s7] =	ssyncset.done $0x0  }
0x29: {  	[sflag:s7] =	ssyncadd.s32 $0xFFFFFF80  }
0x2a: {  	[tilespmem:s8], [sflag:$0x1] =	stream.indirect.gather [hbm4b:s1+s8], $0x40, s3, s8, $0xb8;
	[tilespmem:$0x2080] =	vst v63  }
0x2b: {  	s10 =	sadd.s32 $0x1, s10;
	_ =	swait.ge [sflag:s9], $0x2000  }
0x2c: {  	p0 =	sne.s32 s10, s4;
	[sflag:s9] =	ssyncset.done $0x0  }
.Ltmp1:
0x2d: {  	[sflag:s9] =	ssyncadd.s32 $0xFFFFE000;
	(pc) =	sbr.rel @p0 .LBB2_1-.Ltmp1, $4  }
0x2e: {  	[hbm4b:s11+s3] =	stream.linear.scatter [tilespmem:s8], [sflag:$0x2], $0x2000, $0x38;
	[tilespmem:$0x2080] =	vst v63  }
0x2f: {  	_ =	swait.ge [sflag:s7], $0x2000  }
0x30: {  	[sflag:s7] =	ssyncset.done $0x0  }
0x31: {  	[sflag:s7] =	ssyncadd.s32 $0xFFFFE000  }
0x32: {  	_ =	sfence.sel $0x180000  }
0x33: {  	[bflag:$0x0] =	sbarrier.arrive $0xFFFF  }
0x34: {  	p0 =	sne.s32 s2, $0x0;
	_ =	strace $0x90000050  }
0x35: {  	s0 =	sadd.s32 @!p0 $0x100000, s0;
	[bflag:$0x2] =	sbarrier.arrive $0xFFFF  }
0x36: {  	[sflag:s0] =	ssyncadd.tile.s32 @!p0 $0x1;
	_ =	shalt  }
.Lfunc_end2:
_tile_overlayer_lowered:
.L_overlay_start_2:
0x37: {  	(tag) =	ssettag $0x2  }
0x38: {  	s0 =	rddreg [dreg:$0x0];
	s2 =	stileid.u32  }
0x39: {  	s1 =	rddreg [dreg:$0x1];
	p0 =	sne.s32 s2, $0x0  }
0x3a: {  	s3 =	rddreg [dreg:$0x2];
	[bflag:$0x3] =	sbarrier.arrive $0xFFFF;
	s2 =	simm.s32 @!p0 $0x1C02  }
0x3b: {  	[timem:s3], [sflag:s2] =	dma.local @!p0 [hbm:s0], s1  }
0x3c: {  	s0 =	simm.s32 @!p0 $0x2  }
0x3d: {  	_ =	swait.ge @!p0 [sflag:s0], s1  }
0x3e: {  	s1 =	ssub.s32 @!p0 $0x0, s1;
	[sflag:s0] =	ssyncset.done @!p0 $0x0  }
0x3f: {  	[sflag:s0] =	ssyncadd.s32 @!p0 s1  }
0x40: {  	[bflag:$0x3] =	sbarrier.arrive $0xFFFF  }
0x41: {  	_ =	shalt  }

</sc_bundles>
